<compile_context>
chip_gen: v7x
topology: tpu7x:2x2x1
jax: 0.10.2.dev20260603
libtpu: 0.0.44.dev20260713+nightly
codegen_flags: <defaults>
</compile_context>

<pallas_src>
import functools

import jax
import jax.numpy as jnp
from jax import lax
from jax.experimental import pallas as pl
from jax.experimental.pallas import tpu as pltpu
from jax.experimental.pallas import tpu_sc as plsc

_NC = 2
_NS = 16
_NW = _NC * _NS
_LANES = 16
_NBUF = 2


def _build(N, T, D):
    rows_per_w = N // _NW
    seqs_per_w = rows_per_w // T
    SEQ_PER_CHUNK = 2
    CH_ROWS = SEQ_PER_CHUNK * T
    n_chunks = seqs_per_w // SEQ_PER_CHUNK
    G = 80
    n_g = CH_ROWS // G

    mesh = plsc.VectorSubcoreMesh(
        core_axis_name="c", subcore_axis_name="s",
        num_cores=_NC, num_subcores=_NS,
    )

    @functools.partial(
        pl.kernel,
        out_type=jax.ShapeDtypeStruct((N, D), jnp.float32),
        mesh=mesh,
        scratch_types=[
            pltpu.VMEM((T, D), jnp.float32),
            pltpu.VMEM((rows_per_w,), jnp.int32),
            [pltpu.VMEM((CH_ROWS, D), jnp.float32) for _ in range(_NBUF)],
            pltpu.SemaphoreType.DMA,
            [pltpu.SemaphoreType.DMA for _ in range(_NBUF)],
        ],
        compiler_params=pltpu.CompilerParams(use_tc_tiling_on_sc=False),
    )
    def emb_kernel(ids_hbm, tok_hbm, pos_hbm, out_hbm,
                   pos_v, idx_v, rows, gsem, ssem):
        wid = lax.axis_index("s") * _NC + lax.axis_index("c")
        base = pl.multiple_of(wid * rows_per_w, CH_ROWS)
        pltpu.sync_copy(ids_hbm.at[pl.ds(base, rows_per_w)], idx_v)
        pltpu.sync_copy(pos_hbm, pos_v)

        def gather(c, b):
            copies = []
            for g in range(n_g):
                off = pl.multiple_of(c * CH_ROWS + g * G, G)
                cp = pltpu.make_async_copy(
                    tok_hbm.at[idx_v.at[pl.ds(off, G)]],
                    rows[b].at[pl.ds(g * G, G)],
                    gsem,
                )
                cp.start()
                copies.append(cp)
            for cp in copies:
                cp.wait()

        def add_pos(b):
            @plsc.parallel_loop(0, T, unroll=8)
            def _(t):
                for cc in range(D // _LANES):
                    v = pos_v[t, pl.ds(cc * _LANES, _LANES)]
                    for s in range(SEQ_PER_CHUNK):
                        plsc.addupdate(
                            rows[b].at[s * T + t, pl.ds(cc * _LANES, _LANES)], v
                        )

        def store_copy(c, b):
            row0 = pl.multiple_of(base + c * CH_ROWS, CH_ROWS)
            return pltpu.make_async_copy(
                rows[b], out_hbm.at[pl.ds(row0, CH_ROWS)], ssem[b]
            )

        def slot(c, b, wait_prev):
            if wait_prev:
                store_copy(c - _NBUF, b).wait()
            gather(c, b)
            add_pos(b)
            store_copy(c, b).start()

        for b in range(_NBUF):
            slot(b, b, wait_prev=False)

        def group(gi, carry):
            c0 = _NBUF + gi * _NBUF
            for b in range(_NBUF):
                slot(c0 + b, b, wait_prev=True)
            return carry

        lax.fori_loop(0, n_chunks // _NBUF - 1, group, 0)

        for b in range(_NBUF):
            store_copy(n_chunks - _NBUF + b, b).wait()

    return emb_kernel


def kernel(token_ids, tok_table, pos_table):
    B, T = token_ids.shape
    V, D = tok_table.shape
    N = B * T
    ids_flat = token_ids.reshape(N).astype(jnp.int32)
    emb = _build(N, T, D)
    out = emb(ids_flat, tok_table, pos_table)
    return out.reshape(B, T, D)

# --- scband reference (transcript-rebuilt; emitter-appended) ---
"""Pipeline reference for scband-token-positional-embedding-69346541961991 (READ-ONLY COPY).

The authoritative reference and input builder live on the scoring server;
editing this copy changes nothing except your own understanding.
"""

import jax, jax.numpy as jnp
import numpy as np

VOCAB_SIZE = 1000000
D_MODEL = 64
MAX_LEN = 200
BATCH = 4096
SEQ = 200

def setup_inputs(seed: int = 0) -> dict:
    key = jax.random.key(seed)
    k1, k2, k3 = jax.random.split(key, 3)
    token_ids = jax.random.randint(k1, (BATCH, SEQ), 0, VOCAB_SIZE, dtype=jnp.int64 if jax.config.jax_enable_x64 else jnp.int32)
    tok_table = jax.random.normal(k2, (VOCAB_SIZE, D_MODEL), dtype=jnp.float32) * 0.02
    pos_table = jax.random.normal(k3, (MAX_LEN, D_MODEL), dtype=jnp.float32) * 0.02
    return {"token_ids": token_ids, "tok_table": tok_table, "pos_table": pos_table}

def reference(token_ids, tok_table, pos_table):
    B, T = token_ids.shape
    positions = jnp.arange(T)
    tok_emb = jnp.take(tok_table, token_ids, axis=0)          # [B, T, d]
    pos_emb = jnp.take(pos_table, positions, axis=0)[None]    # [1, T, d]
    x = tok_emb + pos_emb
    return x

if __name__ == "__main__":
    import jax
    _d = setup_inputs()
    print(jax.jit(kernel)(*tuple(_d.values())))

</pallas_src>

<mosaic_0001>
#map = affine_map<(d0, d1) -> (0)>
#map1 = affine_map<(d0, d1) -> (0, 0)>
module attributes {stable_mosaic.version = 14 : i64} {
  func.func @emb_kernel(%arg0: i32, %arg1: i32, %arg2: memref<819200xi32, #tpu.memory_space<hbm>>, %arg3: memref<1000000x64xf32, #tpu.memory_space<hbm>>, %arg4: memref<200x64xf32, #tpu.memory_space<hbm>>, %arg5: memref<819200x64xf32, #tpu.memory_space<hbm>>, %arg6: memref<200x64xf32, #tpu.memory_space<vmem>>, %arg7: memref<25600xi32, #tpu.memory_space<vmem>>, %arg8: memref<400x64xf32, #tpu.memory_space<vmem>>, %arg9: memref<400x64xf32, #tpu.memory_space<vmem>>, %arg10: memref<!tpu.dma_semaphore, #tpu.memory_space<semaphore_mem>>, %arg11: memref<!tpu.dma_semaphore, #tpu.memory_space<semaphore_mem>>, %arg12: memref<!tpu.dma_semaphore, #tpu.memory_space<semaphore_mem>>) attributes {dimension_semantics = [#tpu.dimension_semantics<core_parallel>, #tpu.dimension_semantics<subcore_parallel>], iteration_bounds = array<i64: 2, 16>, scalar_prefetch = 0 : i64, scratch_operands = 7 : i64, tpu.core_type = #tpu.core_type<sc_vector_subcore>, window_params = [{transform_indices = #map}, {transform_indices = #map1}, {transform_indices = #map1}, {transform_indices = #map1}]} {
    %mul3A = arith.constant 2 : i32
    %mul3A_0 = arith.muli %arg1, %mul3A : i32
    %add3A = arith.addi %mul3A_0, %arg0 : i32
    %mul3A_1 = arith.constant 25600 : i32
    %mul3A_2 = arith.muli %add3A, %mul3A_1 : i32
    %multiple_of3A = tpu.assume_multiple %mul3A_2, 400 : i32
    "tpu.region"() ({
      %run_scoped3A = tpu.sem_alloc : memref<!tpu.dma_semaphore, #tpu.memory_space<semaphore_mem>>
      %dma_start3A_199 = tpu.memref_slice %arg2[%multiple_of3A] : memref<819200xi32, #tpu.memory_space<hbm>> -> memref<25600xi32, #tpu.memory_space<hbm>>
      %dma_start3A_200 = tpu.memref_slice %arg2[%multiple_of3A] : memref<819200xi32, #tpu.memory_space<hbm>> -> memref<25600xi32, #tpu.memory_space<hbm>>
      tpu.enqueue_dma source(%dma_start3A_200 : memref<25600xi32, #tpu.memory_space<hbm>>) target(%arg7 : memref<25600xi32, #tpu.memory_space<vmem>>) target_semaphore(%run_scoped3A : memref<!tpu.dma_semaphore, #tpu.memory_space<semaphore_mem>>)
      %dma_wait3A_201 = tpu.memref_slice %arg2[%multiple_of3A] : memref<819200xi32, #tpu.memory_space<hbm>> -> memref<25600xi32, #tpu.memory_space<hbm>>
      %dma_wait3A_202 = tpu.memref_slice %arg2[%multiple_of3A] : memref<819200xi32, #tpu.memory_space<hbm>> -> memref<25600xi32, #tpu.memory_space<hbm>>
      tpu.wait_dma2 semaphore(%run_scoped3A : memref<!tpu.dma_semaphore, #tpu.memory_space<semaphore_mem>>) src(%dma_wait3A_202 : memref<25600xi32, #tpu.memory_space<hbm>>) dst(%arg7 : memref<25600xi32, #tpu.memory_space<vmem>>)
      tpu.yield
    }) : () -> ()
    "tpu.region"() ({
      %run_scoped3A = tpu.sem_alloc : memref<!tpu.dma_semaphore, #tpu.memory_space<semaphore_mem>>
      tpu.enqueue_dma source(%arg4 : memref<200x64xf32, #tpu.memory_space<hbm>>) target(%arg6 : memref<200x64xf32, #tpu.memory_space<vmem>>) target_semaphore(%run_scoped3A : memref<!tpu.dma_semaphore, #tpu.memory_space<semaphore_mem>>)
      tpu.wait_dma2 semaphore(%run_scoped3A : memref<!tpu.dma_semaphore, #tpu.memory_space<semaphore_mem>>) src(%arg4 : memref<200x64xf32, #tpu.memory_space<hbm>>) dst(%arg6 : memref<200x64xf32, #tpu.memory_space<vmem>>)
      tpu.yield
    }) : () -> ()
    %multiple_of3A_3 = arith.constant 0 : i32
    %multiple_of3A_4 = tpu.assume_multiple %multiple_of3A_3, 80 : i32
    %dma_start3A = arith.constant 0 : i32
    %dma_start3A_5 = arith.constant 0 : i32
    %dma_start3A_6 = tpu.memref_slice %arg8[%dma_start3A, %dma_start3A_5] : memref<400x64xf32, #tpu.memory_space<vmem>> -> memref<80x64xf32, #tpu.memory_space<vmem>>
    %dma_start3A_7 = tpu.memref_slice %arg7[%multiple_of3A_4] : memref<25600xi32, #tpu.memory_space<vmem>> -> memref<80xi32, #tpu.memory_space<vmem>>
    %dma_start3A_8 = arith.constant 0 : i32
    %dma_start3A_9 = arith.constant 0 : i32
    %dma_start3A_10 = tpu.memref_slice %arg3[%dma_start3A_8, %dma_start3A_9] : memref<1000000x64xf32, #tpu.memory_space<hbm>> -> memref<1000000x64xf32, #tpu.memory_space<hbm>>
    tpu.enqueue_indirect_dma source(%dma_start3A_10 : memref<1000000x64xf32, #tpu.memory_space<hbm>>) target(%dma_start3A_6 : memref<80x64xf32, #tpu.memory_space<vmem>>) offsets(%dma_start3A_7 : memref<80xi32, #tpu.memory_space<vmem>>) semaphore(%arg10 : memref<!tpu.dma_semaphore, #tpu.memory_space<semaphore_mem>>)
    %multiple_of3A_11 = arith.constant 80 : i32
    %multiple_of3A_12 = tpu.assume_multiple %multiple_of3A_11, 80 : i32
    %dma_start3A_13 = arith.constant 80 : i32
    %dma_start3A_14 = arith.constant 0 : i32
    %dma_start3A_15 = tpu.memref_slice %arg8[%dma_start3A_13, %dma_start3A_14] : memref<400x64xf32, #tpu.memory_space<vmem>> -> memref<80x64xf32, #tpu.memory_space<vmem>>
    %dma_start3A_16 = tpu.memref_slice %arg7[%multiple_of3A_12] : memref<25600xi32, #tpu.memory_space<vmem>> -> memref<80xi32, #tpu.memory_space<vmem>>
    %dma_start3A_17 = arith.constant 0 : i32
    %dma_start3A_18 = arith.constant 0 : i32
    %dma_start3A_19 = tpu.memref_slice %arg3[%dma_start3A_17, %dma_start3A_18] : memref<1000000x64xf32, #tpu.memory_space<hbm>> -> memref<1000000x64xf32, #tpu.memory_space<hbm>>
    tpu.enqueue_indirect_dma source(%dma_start3A_19 : memref<1000000x64xf32, #tpu.memory_space<hbm>>) target(%dma_start3A_15 : memref<80x64xf32, #tpu.memory_space<vmem>>) offsets(%dma_start3A_16 : memref<80xi32, #tpu.memory_space<vmem>>) semaphore(%arg10 : memref<!tpu.dma_semaphore, #tpu.memory_space<semaphore_mem>>)
    %multiple_of3A_20 = arith.constant 160 : i32
    %multiple_of3A_21 = tpu.assume_multiple %multiple_of3A_20, 80 : i32
    %dma_start3A_22 = arith.constant 160 : i32
    %dma_start3A_23 = arith.constant 0 : i32
    %dma_start3A_24 = tpu.memref_slice %arg8[%dma_start3A_22, %dma_start3A_23] : memref<400x64xf32, #tpu.memory_space<vmem>> -> memref<80x64xf32, #tpu.memory_space<vmem>>
    %dma_start3A_25 = tpu.memref_slice %arg7[%multiple_of3A_21] : memref<25600xi32, #tpu.memory_space<vmem>> -> memref<80xi32, #tpu.memory_space<vmem>>
    %dma_start3A_26 = arith.constant 0 : i32
    %dma_start3A_27 = arith.constant 0 : i32
    %dma_start3A_28 = tpu.memref_slice %arg3[%dma_start3A_26, %dma_start3A_27] : memref<1000000x64xf32, #tpu.memory_space<hbm>> -> memref<1000000x64xf32, #tpu.memory_space<hbm>>
    tpu.enqueue_indirect_dma source(%dma_start3A_28 : memref<1000000x64xf32, #tpu.memory_space<hbm>>) target(%dma_start3A_24 : memref<80x64xf32, #tpu.memory_space<vmem>>) offsets(%dma_start3A_25 : memref<80xi32, #tpu.memory_space<vmem>>) semaphore(%arg10 : memref<!tpu.dma_semaphore, #tpu.memory_space<semaphore_mem>>)
    %multiple_of3A_29 = arith.constant 240 : i32
    %multiple_of3A_30 = tpu.assume_multiple %multiple_of3A_29, 80 : i32
    %dma_start3A_31 = arith.constant 240 : i32
    %dma_start3A_32 = arith.constant 0 : i32
    %dma_start3A_33 = tpu.memref_slice %arg8[%dma_start3A_31, %dma_start3A_32] : memref<400x64xf32, #tpu.memory_space<vmem>> -> memref<80x64xf32, #tpu.memory_space<vmem>>
    %dma_start3A_34 = tpu.memref_slice %arg7[%multiple_of3A_30] : memref<25600xi32, #tpu.memory_space<vmem>> -> memref<80xi32, #tpu.memory_space<vmem>>
    %dma_start3A_35 = arith.constant 0 : i32
    %dma_start3A_36 = arith.constant 0 : i32
    %dma_start3A_37 = tpu.memref_slice %arg3[%dma_start3A_35, %dma_start3A_36] : memref<1000000x64xf32, #tpu.memory_space<hbm>> -> memref<1000000x64xf32, #tpu.memory_space<hbm>>
    tpu.enqueue_indirect_dma source(%dma_start3A_37 : memref<1000000x64xf32, #tpu.memory_space<hbm>>) target(%dma_start3A_33 : memref<80x64xf32, #tpu.memory_space<vmem>>) offsets(%dma_start3A_34 : memref<80xi32, #tpu.memory_space<vmem>>) semaphore(%arg10 : memref<!tpu.dma_semaphore, #tpu.memory_space<semaphore_mem>>)
    %multiple_of3A_38 = arith.constant 320 : i32
    %multiple_of3A_39 = tpu.assume_multiple %multiple_of3A_38, 80 : i32
    %dma_start3A_40 = arith.constant 320 : i32
    %dma_start3A_41 = arith.constant 0 : i32
    %dma_start3A_42 = tpu.memref_slice %arg8[%dma_start3A_40, %dma_start3A_41] : memref<400x64xf32, #tpu.memory_space<vmem>> -> memref<80x64xf32, #tpu.memory_space<vmem>>
    %dma_start3A_43 = tpu.memref_slice %arg7[%multiple_of3A_39] : memref<25600xi32, #tpu.memory_space<vmem>> -> memref<80xi32, #tpu.memory_space<vmem>>
    %dma_start3A_44 = arith.constant 0 : i32
    %dma_start3A_45 = arith.constant 0 : i32
    %dma_start3A_46 = tpu.memref_slice %arg3[%dma_start3A_44, %dma_start3A_45] : memref<1000000x64xf32, #tpu.memory_space<hbm>> -> memref<1000000x64xf32, #tpu.memory_space<hbm>>
    tpu.enqueue_indirect_dma source(%dma_start3A_46 : memref<1000000x64xf32, #tpu.memory_space<hbm>>) target(%dma_start3A_42 : memref<80x64xf32, #tpu.memory_space<vmem>>) offsets(%dma_start3A_43 : memref<80xi32, #tpu.memory_space<vmem>>) semaphore(%arg10 : memref<!tpu.dma_semaphore, #tpu.memory_space<semaphore_mem>>)
    %dma_wait3A = arith.constant 0 : i32
    %dma_wait3A_47 = arith.constant 0 : i32
    %dma_wait3A_48 = tpu.memref_slice %arg8[%dma_wait3A, %dma_wait3A_47] : memref<400x64xf32, #tpu.memory_space<vmem>> -> memref<80x64xf32, #tpu.memory_space<vmem>>
    %dma_wait3A_49 = tpu.memref_slice %arg7[%multiple_of3A_4] : memref<25600xi32, #tpu.memory_space<vmem>> -> memref<80xi32, #tpu.memory_space<vmem>>
    %dma_wait3A_50 = arith.constant 0 : i32
    %dma_wait3A_51 = arith.constant 0 : i32
    %dma_wait3A_52 = tpu.memref_slice %arg3[%dma_wait3A_50, %dma_wait3A_51] : memref<1000000x64xf32, #tpu.memory_space<hbm>> -> memref<1000000x64xf32, #tpu.memory_space<hbm>>
    tpu.wait_indirect_dma semaphore(%arg10 : memref<!tpu.dma_semaphore, #tpu.memory_space<semaphore_mem>>) src(%dma_wait3A_52 : memref<1000000x64xf32, #tpu.memory_space<hbm>>) dst(%dma_wait3A_48 : memref<80x64xf32, #tpu.memory_space<vmem>>)
    %dma_wait3A_53 = arith.constant 80 : i32
    %dma_wait3A_54 = arith.constant 0 : i32
    %dma_wait3A_55 = tpu.memref_slice %arg8[%dma_wait3A_53, %dma_wait3A_54] : memref<400x64xf32, #tpu.memory_space<vmem>> -> memref<80x64xf32, #tpu.memory_space<vmem>>
    %dma_wait3A_56 = tpu.memref_slice %arg7[%multiple_of3A_12] : memref<25600xi32, #tpu.memory_space<vmem>> -> memref<80xi32, #tpu.memory_space<vmem>>
    %dma_wait3A_57 = arith.constant 0 : i32
    %dma_wait3A_58 = arith.constant 0 : i32
    %dma_wait3A_59 = tpu.memref_slice %arg3[%dma_wait3A_57, %dma_wait3A_58] : memref<1000000x64xf32, #tpu.memory_space<hbm>> -> memref<1000000x64xf32, #tpu.memory_space<hbm>>
    tpu.wait_indirect_dma semaphore(%arg10 : memref<!tpu.dma_semaphore, #tpu.memory_space<semaphore_mem>>) src(%dma_wait3A_59 : memref<1000000x64xf32, #tpu.memory_space<hbm>>) dst(%dma_wait3A_55 : memref<80x64xf32, #tpu.memory_space<vmem>>)
    %dma_wait3A_60 = arith.constant 160 : i32
    %dma_wait3A_61 = arith.constant 0 : i32
    %dma_wait3A_62 = tpu.memref_slice %arg8[%dma_wait3A_60, %dma_wait3A_61] : memref<400x64xf32, #tpu.memory_space<vmem>> -> memref<80x64xf32, #tpu.memory_space<vmem>>
    %dma_wait3A_63 = tpu.memref_slice %arg7[%multiple_of3A_21] : memref<25600xi32, #tpu.memory_space<vmem>> -> memref<80xi32, #tpu.memory_space<vmem>>
    %dma_wait3A_64 = arith.constant 0 : i32
    %dma_wait3A_65 = arith.constant 0 : i32
    %dma_wait3A_66 = tpu.memref_slice %arg3[%dma_wait3A_64, %dma_wait3A_65] : memref<1000000x64xf32, #tpu.memory_space<hbm>> -> memref<1000000x64xf32, #tpu.memory_space<hbm>>
    tpu.wait_indirect_dma semaphore(%arg10 : memref<!tpu.dma_semaphore, #tpu.memory_space<semaphore_mem>>) src(%dma_wait3A_66 : memref<1000000x64xf32, #tpu.memory_space<hbm>>) dst(%dma_wait3A_62 : memref<80x64xf32, #tpu.memory_space<vmem>>)
    %dma_wait3A_67 = arith.constant 240 : i32
    %dma_wait3A_68 = arith.constant 0 : i32
    %dma_wait3A_69 = tpu.memref_slice %arg8[%dma_wait3A_67, %dma_wait3A_68] : memref<400x64xf32, #tpu.memory_space<vmem>> -> memref<80x64xf32, #tpu.memory_space<vmem>>
    %dma_wait3A_70 = tpu.memref_slice %arg7[%multiple_of3A_30] : memref<25600xi32, #tpu.memory_space<vmem>> -> memref<80xi32, #tpu.memory_space<vmem>>
    %dma_wait3A_71 = arith.constant 0 : i32
    %dma_wait3A_72 = arith.constant 0 : i32
    %dma_wait3A_73 = tpu.memref_slice %arg3[%dma_wait3A_71, %dma_wait3A_72] : memref<1000000x64xf32, #tpu.memory_space<hbm>> -> memref<1000000x64xf32, #tpu.memory_space<hbm>>
    tpu.wait_indirect_dma semaphore(%arg10 : memref<!tpu.dma_semaphore, #tpu.memory_space<semaphore_mem>>) src(%dma_wait3A_73 : memref<1000000x64xf32, #tpu.memory_space<hbm>>) dst(%dma_wait3A_69 : memref<80x64xf32, #tpu.memory_space<vmem>>)
    %dma_wait3A_74 = arith.constant 320 : i32
    %dma_wait3A_75 = arith.constant 0 : i32
    %dma_wait3A_76 = tpu.memref_slice %arg8[%dma_wait3A_74, %dma_wait3A_75] : memref<400x64xf32, #tpu.memory_space<vmem>> -> memref<80x64xf32, #tpu.memory_space<vmem>>
    %dma_wait3A_77 = tpu.memref_slice %arg7[%multiple_of3A_39] : memref<25600xi32, #tpu.memory_space<vmem>> -> memref<80xi32, #tpu.memory_space<vmem>>
    %dma_wait3A_78 = arith.constant 0 : i32
    %dma_wait3A_79 = arith.constant 0 : i32
    %dma_wait3A_80 = tpu.memref_slice %arg3[%dma_wait3A_78, %dma_wait3A_79] : memref<1000000x64xf32, #tpu.memory_space<hbm>> -> memref<1000000x64xf32, #tpu.memory_space<hbm>>
    tpu.wait_indirect_dma semaphore(%arg10 : memref<!tpu.dma_semaphore, #tpu.memory_space<semaphore_mem>>) src(%dma_wait3A_80 : memref<1000000x64xf32, #tpu.memory_space<hbm>>) dst(%dma_wait3A_76 : memref<80x64xf32, #tpu.memory_space<vmem>>)
    %parallel_loop3A = arith.constant 0 : i32
    %parallel_loop3A_81 = arith.constant 200 : i32
    %parallel_loop3A_82 = arith.constant 1 : i32
    scf.for %parallel_loop3A_199 = %parallel_loop3A to %parallel_loop3A_81 step %parallel_loop3A_82  : i32 {
      %parallel_loop3A_200 = arith.index_cast %parallel_loop3A_199 : i32 to index
      %parallel_loop3A_201 = arith.constant 0 : index
      %parallel_loop3A_202 = tpu.vector_load %arg6[%parallel_loop3A_200, %parallel_loop3A_201] {strides = array<i32>} : memref<200x64xf32, #tpu.memory_space<vmem>>, vector<1x16xf32>,
      %parallel_loop3A_203 = vector.shape_cast %parallel_loop3A_202 : vector<1x16xf32> to vector<16xf32>
      %parallel_loop3A_204 = arith.constant 0 : i32
      %parallel_loop3A_205 = arith.addi %parallel_loop3A_204, %parallel_loop3A_199 : i32
      %parallel_loop3A_206 = arith.index_cast %parallel_loop3A_205 : i32 to index
      %parallel_loop3A_207 = arith.constant 0 : index
      %parallel_loop3A_208 = tpu.vector_load %arg8[%parallel_loop3A_206, %parallel_loop3A_207] {strides = array<i32>} : memref<400x64xf32, #tpu.memory_space<vmem>>, vector<1x16xf32>,
      %parallel_loop3A_209 = vector.shape_cast %parallel_loop3A_208 : vector<1x16xf32> to vector<16xf32>
      %parallel_loop3A_210 = vector.shape_cast %parallel_loop3A_203 : vector<16xf32> to vector<1x16xf32>
      tpu.vector_store %arg8[%parallel_loop3A_206, %parallel_loop3A_207], %parallel_loop3A_210 {add = true, strides = array<i32>} : memref<400x64xf32, #tpu.memory_space<vmem>>, vector<1x16xf32>,
      %parallel_loop3A_211 = arith.constant 200 : i32
      %parallel_loop3A_212 = arith.addi %parallel_loop3A_211, %parallel_loop3A_199 : i32
      %parallel_loop3A_213 = arith.index_cast %parallel_loop3A_212 : i32 to index
      %parallel_loop3A_214 = arith.constant 0 : index
      %parallel_loop3A_215 = tpu.vector_load %arg8[%parallel_loop3A_213, %parallel_loop3A_214] {strides = array<i32>} : memref<400x64xf32, #tpu.memory_space<vmem>>, vector<1x16xf32>,
      %parallel_loop3A_216 = vector.shape_cast %parallel_loop3A_215 : vector<1x16xf32> to vector<16xf32>
      %parallel_loop3A_217 = vector.shape_cast %parallel_loop3A_203 : vector<16xf32> to vector<1x16xf32>
      tpu.vector_store %arg8[%parallel_loop3A_213, %parallel_loop3A_214], %parallel_loop3A_217 {add = true, strides = array<i32>} : memref<400x64xf32, #tpu.memory_space<vmem>>, vector<1x16xf32>,
      %parallel_loop3A_218 = arith.index_cast %parallel_loop3A_199 : i32 to index
      %parallel_loop3A_219 = arith.constant 16 : index
      %parallel_loop3A_220 = tpu.vector_load %arg6[%parallel_loop3A_218, %parallel_loop3A_219] {strides = array<i32>} : memref<200x64xf32, #tpu.memory_space<vmem>>, vector<1x16xf32>,
      %parallel_loop3A_221 = vector.shape_cast %parallel_loop3A_220 : vector<1x16xf32> to vector<16xf32>
      %parallel_loop3A_222 = arith.constant 0 : i32
      %parallel_loop3A_223 = arith.addi %parallel_loop3A_222, %parallel_loop3A_199 : i32
      %parallel_loop3A_224 = arith.index_cast %parallel_loop3A_223 : i32 to index
      %parallel_loop3A_225 = arith.constant 16 : index
      %parallel_loop3A_226 = tpu.vector_load %arg8[%parallel_loop3A_224, %parallel_loop3A_225] {strides = array<i32>} : memref<400x64xf32, #tpu.memory_space<vmem>>, vector<1x16xf32>,
      %parallel_loop3A_227 = vector.shape_cast %parallel_loop3A_226 : vector<1x16xf32> to vector<16xf32>
      %parallel_loop3A_228 = vector.shape_cast %parallel_loop3A_221 : vector<16xf32> to vector<1x16xf32>
      tpu.vector_store %arg8[%parallel_loop3A_224, %parallel_loop3A_225], %parallel_loop3A_228 {add = true, strides = array<i32>} : memref<400x64xf32, #tpu.memory_space<vmem>>, vector<1x16xf32>,
      %parallel_loop3A_229 = arith.constant 200 : i32
      %parallel_loop3A_230 = arith.addi %parallel_loop3A_229, %parallel_loop3A_199 : i32
      %parallel_loop3A_231 = arith.index_cast %parallel_loop3A_230 : i32 to index
      %parallel_loop3A_232 = arith.constant 16 : index
      %parallel_loop3A_233 = tpu.vector_load %arg8[%parallel_loop3A_231, %parallel_loop3A_232] {strides = array<i32>} : memref<400x64xf32, #tpu.memory_space<vmem>>, vector<1x16xf32>,
      %parallel_loop3A_234 = vector.shape_cast %parallel_loop3A_233 : vector<1x16xf32> to vector<16xf32>
      %parallel_loop3A_235 = vector.shape_cast %parallel_loop3A_221 : vector<16xf32> to vector<1x16xf32>
      tpu.vector_store %arg8[%parallel_loop3A_231, %parallel_loop3A_232], %parallel_loop3A_235 {add = true, strides = array<i32>} : memref<400x64xf32, #tpu.memory_space<vmem>>, vector<1x16xf32>,
      %parallel_loop3A_236 = arith.index_cast %parallel_loop3A_199 : i32 to index
      %parallel_loop3A_237 = arith.constant 32 : index
      %parallel_loop3A_238 = tpu.vector_load %arg6[%parallel_loop3A_236, %parallel_loop3A_237] {strides = array<i32>} : memref<200x64xf32, #tpu.memory_space<vmem>>, vector<1x16xf32>,
      %parallel_loop3A_239 = vector.shape_cast %parallel_loop3A_238 : vector<1x16xf32> to vector<16xf32>
      %parallel_loop3A_240 = arith.constant 0 : i32
      %parallel_loop3A_241 = arith.addi %parallel_loop3A_240, %parallel_loop3A_199 : i32
      %parallel_loop3A_242 = arith.index_cast %parallel_loop3A_241 : i32 to index
      %parallel_loop3A_243 = arith.constant 32 : index
      %parallel_loop3A_244 = tpu.vector_load %arg8[%parallel_loop3A_242, %parallel_loop3A_243] {strides = array<i32>} : memref<400x64xf32, #tpu.memory_space<vmem>>, vector<1x16xf32>,
      %parallel_loop3A_245 = vector.shape_cast %parallel_loop3A_244 : vector<1x16xf32> to vector<16xf32>
      %parallel_loop3A_246 = vector.shape_cast %parallel_loop3A_239 : vector<16xf32> to vector<1x16xf32>
      tpu.vector_store %arg8[%parallel_loop3A_242, %parallel_loop3A_243], %parallel_loop3A_246 {add = true, strides = array<i32>} : memref<400x64xf32, #tpu.memory_space<vmem>>, vector<1x16xf32>,
      %parallel_loop3A_247 = arith.constant 200 : i32
      %parallel_loop3A_248 = arith.addi %parallel_loop3A_247, %parallel_loop3A_199 : i32
      %parallel_loop3A_249 = arith.index_cast %parallel_loop3A_248 : i32 to index
      %parallel_loop3A_250 = arith.constant 32 : index
      %parallel_loop3A_251 = tpu.vector_load %arg8[%parallel_loop3A_249, %parallel_loop3A_250] {strides = array<i32>} : memref<400x64xf32, #tpu.memory_space<vmem>>, vector<1x16xf32>,
      %parallel_loop3A_252 = vector.shape_cast %parallel_loop3A_251 : vector<1x16xf32> to vector<16xf32>
      %parallel_loop3A_253 = vector.shape_cast %parallel_loop3A_239 : vector<16xf32> to vector<1x16xf32>
      tpu.vector_store %arg8[%parallel_loop3A_249, %parallel_loop3A_250], %parallel_loop3A_253 {add = true, strides = array<i32>} : memref<400x64xf32, #tpu.memory_space<vmem>>, vector<1x16xf32>,
      %parallel_loop3A_254 = arith.index_cast %parallel_loop3A_199 : i32 to index
      %parallel_loop3A_255 = arith.constant 48 : index
      %parallel_loop3A_256 = tpu.vector_load %arg6[%parallel_loop3A_254, %parallel_loop3A_255] {strides = array<i32>} : memref<200x64xf32, #tpu.memory_space<vmem>>, vector<1x16xf32>,
      %parallel_loop3A_257 = vector.shape_cast %parallel_loop3A_256 : vector<1x16xf32> to vector<16xf32>
      %parallel_loop3A_258 = arith.constant 0 : i32
      %parallel_loop3A_259 = arith.addi %parallel_loop3A_258, %parallel_loop3A_199 : i32
      %parallel_loop3A_260 = arith.index_cast %parallel_loop3A_259 : i32 to index
      %parallel_loop3A_261 = arith.constant 48 : index
      %parallel_loop3A_262 = tpu.vector_load %arg8[%parallel_loop3A_260, %parallel_loop3A_261] {strides = array<i32>} : memref<400x64xf32, #tpu.memory_space<vmem>>, vector<1x16xf32>,
      %parallel_loop3A_263 = vector.shape_cast %parallel_loop3A_262 : vector<1x16xf32> to vector<16xf32>
      %parallel_loop3A_264 = vector.shape_cast %parallel_loop3A_257 : vector<16xf32> to vector<1x16xf32>
      tpu.vector_store %arg8[%parallel_loop3A_260, %parallel_loop3A_261], %parallel_loop3A_264 {add = true, strides = array<i32>} : memref<400x64xf32, #tpu.memory_space<vmem>>, vector<1x16xf32>,
      %parallel_loop3A_265 = arith.constant 200 : i32
      %parallel_loop3A_266 = arith.addi %parallel_loop3A_265, %parallel_loop3A_199 : i32
      %parallel_loop3A_267 = arith.index_cast %parallel_loop3A_266 : i32 to index
      %parallel_loop3A_268 = arith.constant 48 : index
      %parallel_loop3A_269 = tpu.vector_load %arg8[%parallel_loop3A_267, %parallel_loop3A_268] {strides = array<i32>} : memref<400x64xf32, #tpu.memory_space<vmem>>, vector<1x16xf32>,
      %parallel_loop3A_270 = vector.shape_cast %parallel_loop3A_269 : vector<1x16xf32> to vector<16xf32>
      %parallel_loop3A_271 = vector.shape_cast %parallel_loop3A_257 : vector<16xf32> to vector<1x16xf32>
      tpu.vector_store %arg8[%parallel_loop3A_267, %parallel_loop3A_268], %parallel_loop3A_271 {add = true, strides = array<i32>} : memref<400x64xf32, #tpu.memory_space<vmem>>, vector<1x16xf32>,
    } {sc.loop_unroll_factor = 8 : i64, sc.parallel_access}
    %add3A_83 = arith.constant 0 : i32
    %add3A_84 = arith.addi %multiple_of3A, %add3A_83 : i32
    %multiple_of3A_85 = tpu.assume_multiple %add3A_84, 400 : i32
    %dma_start3A_86 = arith.constant 0 : i32
    %dma_start3A_87 = tpu.memref_slice %arg5[%multiple_of3A_85, %dma_start3A_86] : memref<819200x64xf32, #tpu.memory_space<hbm>> -> memref<400x64xf32, #tpu.memory_space<hbm>>
    %dma_start3A_88 = arith.constant 0 : i32
    %dma_start3A_89 = tpu.memref_slice %arg5[%multiple_of3A_85, %dma_start3A_88] : memref<819200x64xf32, #tpu.memory_space<hbm>> -> memref<400x64xf32, #tpu.memory_space<hbm>>
    tpu.enqueue_dma source(%arg8 : memref<400x64xf32, #tpu.memory_space<vmem>>) target(%dma_start3A_89 : memref<400x64xf32, #tpu.memory_space<hbm>>) target_semaphore(%arg11 : memref<!tpu.dma_semaphore, #tpu.memory_space<semaphore_mem>>)
    %multiple_of3A_90 = arith.constant 400 : i32
    %multiple_of3A_91 = tpu.assume_multiple %multiple_of3A_90, 80 : i32
    %dma_start3A_92 = arith.constant 0 : i32
    %dma_start3A_93 = arith.constant 0 : i32
    %dma_start3A_94 = tpu.memref_slice %arg9[%dma_start3A_92, %dma_start3A_93] : memref<400x64xf32, #tpu.memory_space<vmem>> -> memref<80x64xf32, #tpu.memory_space<vmem>>
    %dma_start3A_95 = tpu.memref_slice %arg7[%multiple_of3A_91] : memref<25600xi32, #tpu.memory_space<vmem>> -> memref<80xi32, #tpu.memory_space<vmem>>
    %dma_start3A_96 = arith.constant 0 : i32
    %dma_start3A_97 = arith.constant 0 : i32
    %dma_start3A_98 = tpu.memref_slice %arg3[%dma_start3A_96, %dma_start3A_97] : memref<1000000x64xf32, #tpu.memory_space<hbm>> -> memref<1000000x64xf32, #tpu.memory_space<hbm>>
    tpu.enqueue_indirect_dma source(%dma_start3A_98 : memref<1000000x64xf32, #tpu.memory_space<hbm>>) target(%dma_start3A_94 : memref<80x64xf32, #tpu.memory_space<vmem>>) offsets(%dma_start3A_95 : memref<80xi32, #tpu.memory_space<vmem>>) semaphore(%arg10 : memref<!tpu.dma_semaphore, #tpu.memory_space<semaphore_mem>>)
    %multiple_of3A_99 = arith.constant 480 : i32
    %multiple_of3A_100 = tpu.assume_multiple %multiple_of3A_99, 80 : i32
    %dma_start3A_101 = arith.constant 80 : i32
    %dma_start3A_102 = arith.constant 0 : i32
    %dma_start3A_103 = tpu.memref_slice %arg9[%dma_start3A_101, %dma_start3A_102] : memref<400x64xf32, #tpu.memory_space<vmem>> -> memref<80x64xf32, #tpu.memory_space<vmem>>
    %dma_start3A_104 = tpu.memref_slice %arg7[%multiple_of3A_100] : memref<25600xi32, #tpu.memory_space<vmem>> -> memref<80xi32, #tpu.memory_space<vmem>>
    %dma_start3A_105 = arith.constant 0 : i32
    %dma_start3A_106 = arith.constant 0 : i32
    %dma_start3A_107 = tpu.memref_slice %arg3[%dma_start3A_105, %dma_start3A_106] : memref<1000000x64xf32, #tpu.memory_space<hbm>> -> memref<1000000x64xf32, #tpu.memory_space<hbm>>
    tpu.enqueue_indirect_dma source(%dma_start3A_107 : memref<1000000x64xf32, #tpu.memory_space<hbm>>) target(%dma_start3A_103 : memref<80x64xf32, #tpu.memory_space<vmem>>) offsets(%dma_start3A_104 : memref<80xi32, #tpu.memory_space<vmem>>) semaphore(%arg10 : memref<!tpu.dma_semaphore, #tpu.memory_space<semaphore_mem>>)
    %multiple_of3A_108 = arith.constant 560 : i32
    %multiple_of3A_109 = tpu.assume_multiple %multiple_of3A_108, 80 : i32
    %dma_start3A_110 = arith.constant 160 : i32
    %dma_start3A_111 = arith.constant 0 : i32
    %dma_start3A_112 = tpu.memref_slice %arg9[%dma_start3A_110, %dma_start3A_111] : memref<400x64xf32, #tpu.memory_space<vmem>> -> memref<80x64xf32, #tpu.memory_space<vmem>>
    %dma_start3A_113 = tpu.memref_slice %arg7[%multiple_of3A_109] : memref<25600xi32, #tpu.memory_space<vmem>> -> memref<80xi32, #tpu.memory_space<vmem>>
    %dma_start3A_114 = arith.constant 0 : i32
    %dma_start3A_115 = arith.constant 0 : i32
    %dma_start3A_116 = tpu.memref_slice %arg3[%dma_start3A_114, %dma_start3A_115] : memref<1000000x64xf32, #tpu.memory_space<hbm>> -> memref<1000000x64xf32, #tpu.memory_space<hbm>>
    tpu.enqueue_indirect_dma source(%dma_start3A_116 : memref<1000000x64xf32, #tpu.memory_space<hbm>>) target(%dma_start3A_112 : memref<80x64xf32, #tpu.memory_space<vmem>>) offsets(%dma_start3A_113 : memref<80xi32, #tpu.memory_space<vmem>>) semaphore(%arg10 : memref<!tpu.dma_semaphore, #tpu.memory_space<semaphore_mem>>)
    %multiple_of3A_117 = arith.constant 640 : i32
    %multiple_of3A_118 = tpu.assume_multiple %multiple_of3A_117, 80 : i32
    %dma_start3A_119 = arith.constant 240 : i32
    %dma_start3A_120 = arith.constant 0 : i32
    %dma_start3A_121 = tpu.memref_slice %arg9[%dma_start3A_119, %dma_start3A_120] : memref<400x64xf32, #tpu.memory_space<vmem>> -> memref<80x64xf32, #tpu.memory_space<vmem>>
    %dma_start3A_122 = tpu.memref_slice %arg7[%multiple_of3A_118] : memref<25600xi32, #tpu.memory_space<vmem>> -> memref<80xi32, #tpu.memory_space<vmem>>
    %dma_start3A_123 = arith.constant 0 : i32
    %dma_start3A_124 = arith.constant 0 : i32
    %dma_start3A_125 = tpu.memref_slice %arg3[%dma_start3A_123, %dma_start3A_124] : memref<1000000x64xf32, #tpu.memory_space<hbm>> -> memref<1000000x64xf32, #tpu.memory_space<hbm>>
    tpu.enqueue_indirect_dma source(%dma_start3A_125 : memref<1000000x64xf32, #tpu.memory_space<hbm>>) target(%dma_start3A_121 : memref<80x64xf32, #tpu.memory_space<vmem>>) offsets(%dma_start3A_122 : memref<80xi32, #tpu.memory_space<vmem>>) semaphore(%arg10 : memref<!tpu.dma_semaphore, #tpu.memory_space<semaphore_mem>>)
    %multiple_of3A_126 = arith.constant 720 : i32
    %multiple_of3A_127 = tpu.assume_multiple %multiple_of3A_126, 80 : i32
    %dma_start3A_128 = arith.constant 320 : i32
    %dma_start3A_129 = arith.constant 0 : i32
    %dma_start3A_130 = tpu.memref_slice %arg9[%dma_start3A_128, %dma_start3A_129] : memref<400x64xf32, #tpu.memory_space<vmem>> -> memref<80x64xf32, #tpu.memory_space<vmem>>
    %dma_start3A_131 = tpu.memref_slice %arg7[%multiple_of3A_127] : memref<25600xi32, #tpu.memory_space<vmem>> -> memref<80xi32, #tpu.memory_space<vmem>>
    %dma_start3A_132 = arith.constant 0 : i32
    %dma_start3A_133 = arith.constant 0 : i32
    %dma_start3A_134 = tpu.memref_slice %arg3[%dma_start3A_132, %dma_start3A_133] : memref<1000000x64xf32, #tpu.memory_space<hbm>> -> memref<1000000x64xf32, #tpu.memory_space<hbm>>
    tpu.enqueue_indirect_dma source(%dma_start3A_134 : memref<1000000x64xf32, #tpu.memory_space<hbm>>) target(%dma_start3A_130 : memref<80x64xf32, #tpu.memory_space<vmem>>) offsets(%dma_start3A_131 : memref<80xi32, #tpu.memory_space<vmem>>) semaphore(%arg10 : memref<!tpu.dma_semaphore, #tpu.memory_space<semaphore_mem>>)
    %dma_wait3A_135 = arith.constant 0 : i32
    %dma_wait3A_136 = arith.constant 0 : i32
    %dma_wait3A_137 = tpu.memref_slice %arg9[%dma_wait3A_135, %dma_wait3A_136] : memref<400x64xf32, #tpu.memory_space<vmem>> -> memref<80x64xf32, #tpu.memory_space<vmem>>
    %dma_wait3A_138 = tpu.memref_slice %arg7[%multiple_of3A_91] : memref<25600xi32, #tpu.memory_space<vmem>> -> memref<80xi32, #tpu.memory_space<vmem>>
    %dma_wait3A_139 = arith.constant 0 : i32
    %dma_wait3A_140 = arith.constant 0 : i32
    %dma_wait3A_141 = tpu.memref_slice %arg3[%dma_wait3A_139, %dma_wait3A_140] : memref<1000000x64xf32, #tpu.memory_space<hbm>> -> memref<1000000x64xf32, #tpu.memory_space<hbm>>
    tpu.wait_indirect_dma semaphore(%arg10 : memref<!tpu.dma_semaphore, #tpu.memory_space<semaphore_mem>>) src(%dma_wait3A_141 : memref<1000000x64xf32, #tpu.memory_space<hbm>>) dst(%dma_wait3A_137 : memref<80x64xf32, #tpu.memory_space<vmem>>)
    %dma_wait3A_142 = arith.constant 80 : i32
    %dma_wait3A_143 = arith.constant 0 : i32
    %dma_wait3A_144 = tpu.memref_slice %arg9[%dma_wait3A_142, %dma_wait3A_143] : memref<400x64xf32, #tpu.memory_space<vmem>> -> memref<80x64xf32, #tpu.memory_space<vmem>>
    %dma_wait3A_145 = tpu.memref_slice %arg7[%multiple_of3A_100] : memref<25600xi32, #tpu.memory_space<vmem>> -> memref<80xi32, #tpu.memory_space<vmem>>
    %dma_wait3A_146 = arith.constant 0 : i32
    %dma_wait3A_147 = arith.constant 0 : i32
    %dma_wait3A_148 = tpu.memref_slice %arg3[%dma_wait3A_146, %dma_wait3A_147] : memref<1000000x64xf32, #tpu.memory_space<hbm>> -> memref<1000000x64xf32, #tpu.memory_space<hbm>>
    tpu.wait_indirect_dma semaphore(%arg10 : memref<!tpu.dma_semaphore, #tpu.memory_space<semaphore_mem>>) src(%dma_wait3A_148 : memref<1000000x64xf32, #tpu.memory_space<hbm>>) dst(%dma_wait3A_144 : memref<80x64xf32, #tpu.memory_space<vmem>>)
    %dma_wait3A_149 = arith.constant 160 : i32
    %dma_wait3A_150 = arith.constant 0 : i32
    %dma_wait3A_151 = tpu.memref_slice %arg9[%dma_wait3A_149, %dma_wait3A_150] : memref<400x64xf32, #tpu.memory_space<vmem>> -> memref<80x64xf32, #tpu.memory_space<vmem>>
    %dma_wait3A_152 = tpu.memref_slice %arg7[%multiple_of3A_109] : memref<25600xi32, #tpu.memory_space<vmem>> -> memref<80xi32, #tpu.memory_space<vmem>>
    %dma_wait3A_153 = arith.constant 0 : i32
    %dma_wait3A_154 = arith.constant 0 : i32
    %dma_wait3A_155 = tpu.memref_slice %arg3[%dma_wait3A_153, %dma_wait3A_154] : memref<1000000x64xf32, #tpu.memory_space<hbm>> -> memref<1000000x64xf32, #tpu.memory_space<hbm>>
    tpu.wait_indirect_dma semaphore(%arg10 : memref<!tpu.dma_semaphore, #tpu.memory_space<semaphore_mem>>) src(%dma_wait3A_155 : memref<1000000x64xf32, #tpu.memory_space<hbm>>) dst(%dma_wait3A_151 : memref<80x64xf32, #tpu.memory_space<vmem>>)
    %dma_wait3A_156 = arith.constant 240 : i32
    %dma_wait3A_157 = arith.constant 0 : i32
    %dma_wait3A_158 = tpu.memref_slice %arg9[%dma_wait3A_156, %dma_wait3A_157] : memref<400x64xf32, #tpu.memory_space<vmem>> -> memref<80x64xf32, #tpu.memory_space<vmem>>
    %dma_wait3A_159 = tpu.memref_slice %arg7[%multiple_of3A_118] : memref<25600xi32, #tpu.memory_space<vmem>> -> memref<80xi32, #tpu.memory_space<vmem>>
    %dma_wait3A_160 = arith.constant 0 : i32
    %dma_wait3A_161 = arith.constant 0 : i32
    %dma_wait3A_162 = tpu.memref_slice %arg3[%dma_wait3A_160, %dma_wait3A_161] : memref<1000000x64xf32, #tpu.memory_space<hbm>> -> memref<1000000x64xf32, #tpu.memory_space<hbm>>
    tpu.wait_indirect_dma semaphore(%arg10 : memref<!tpu.dma_semaphore, #tpu.memory_space<semaphore_mem>>) src(%dma_wait3A_162 : memref<1000000x64xf32, #tpu.memory_space<hbm>>) dst(%dma_wait3A_158 : memref<80x64xf32, #tpu.memory_space<vmem>>)
    %dma_wait3A_163 = arith.constant 320 : i32
    %dma_wait3A_164 = arith.constant 0 : i32
    %dma_wait3A_165 = tpu.memref_slice %arg9[%dma_wait3A_163, %dma_wait3A_164] : memref<400x64xf32, #tpu.memory_space<vmem>> -> memref<80x64xf32, #tpu.memory_space<vmem>>
    %dma_wait3A_166 = tpu.memref_slice %arg7[%multiple_of3A_127] : memref<25600xi32, #tpu.memory_space<vmem>> -> memref<80xi32, #tpu.memory_space<vmem>>
    %dma_wait3A_167 = arith.constant 0 : i32
    %dma_wait3A_168 = arith.constant 0 : i32
    %dma_wait3A_169 = tpu.memref_slice %arg3[%dma_wait3A_167, %dma_wait3A_168] : memref<1000000x64xf32, #tpu.memory_space<hbm>> -> memref<1000000x64xf32, #tpu.memory_space<hbm>>
    tpu.wait_indirect_dma semaphore(%arg10 : memref<!tpu.dma_semaphore, #tpu.memory_space<semaphore_mem>>) src(%dma_wait3A_169 : memref<1000000x64xf32, #tpu.memory_space<hbm>>) dst(%dma_wait3A_165 : memref<80x64xf32, #tpu.memory_space<vmem>>)
    %parallel_loop3A_170 = arith.constant 0 : i32
    %parallel_loop3A_171 = arith.constant 200 : i32
    %parallel_loop3A_172 = arith.constant 1 : i32
    scf.for %parallel_loop3A_199 = %parallel_loop3A_170 to %parallel_loop3A_171 step %parallel_loop3A_172  : i32 {
      %parallel_loop3A_200 = arith.index_cast %parallel_loop3A_199 : i32 to index
      %parallel_loop3A_201 = arith.constant 0 : index
      %parallel_loop3A_202 = tpu.vector_load %arg6[%parallel_loop3A_200, %parallel_loop3A_201] {strides = array<i32>} : memref<200x64xf32, #tpu.memory_space<vmem>>, vector<1x16xf32>,
      %parallel_loop3A_203 = vector.shape_cast %parallel_loop3A_202 : vector<1x16xf32> to vector<16xf32>
      %parallel_loop3A_204 = arith.constant 0 : i32
      %parallel_loop3A_205 = arith.addi %parallel_loop3A_204, %parallel_loop3A_199 : i32
      %parallel_loop3A_206 = arith.index_cast %parallel_loop3A_205 : i32 to index
      %parallel_loop3A_207 = arith.constant 0 : index
      %parallel_loop3A_208 = tpu.vector_load %arg9[%parallel_loop3A_206, %parallel_loop3A_207] {strides = array<i32>} : memref<400x64xf32, #tpu.memory_space<vmem>>, vector<1x16xf32>,
      %parallel_loop3A_209 = vector.shape_cast %parallel_loop3A_208 : vector<1x16xf32> to vector<16xf32>
      %parallel_loop3A_210 = vector.shape_cast %parallel_loop3A_203 : vector<16xf32> to vector<1x16xf32>
      tpu.vector_store %arg9[%parallel_loop3A_206, %parallel_loop3A_207], %parallel_loop3A_210 {add = true, strides = array<i32>} : memref<400x64xf32, #tpu.memory_space<vmem>>, vector<1x16xf32>,
      %parallel_loop3A_211 = arith.constant 200 : i32
      %parallel_loop3A_212 = arith.addi %parallel_loop3A_211, %parallel_loop3A_199 : i32
      %parallel_loop3A_213 = arith.index_cast %parallel_loop3A_212 : i32 to index
      %parallel_loop3A_214 = arith.constant 0 : index
      %parallel_loop3A_215 = tpu.vector_load %arg9[%parallel_loop3A_213, %parallel_loop3A_214] {strides = array<i32>} : memref<400x64xf32, #tpu.memory_space<vmem>>, vector<1x16xf32>,
      %parallel_loop3A_216 = vector.shape_cast %parallel_loop3A_215 : vector<1x16xf32> to vector<16xf32>
      %parallel_loop3A_217 = vector.shape_cast %parallel_loop3A_203 : vector<16xf32> to vector<1x16xf32>
      tpu.vector_store %arg9[%parallel_loop3A_213, %parallel_loop3A_214], %parallel_loop3A_217 {add = true, strides = array<i32>} : memref<400x64xf32, #tpu.memory_space<vmem>>, vector<1x16xf32>,
      %parallel_loop3A_218 = arith.index_cast %parallel_loop3A_199 : i32 to index
      %parallel_loop3A_219 = arith.constant 16 : index
      %parallel_loop3A_220 = tpu.vector_load %arg6[%parallel_loop3A_218, %parallel_loop3A_219] {strides = array<i32>} : memref<200x64xf32, #tpu.memory_space<vmem>>, vector<1x16xf32>,
      %parallel_loop3A_221 = vector.shape_cast %parallel_loop3A_220 : vector<1x16xf32> to vector<16xf32>
      %parallel_loop3A_222 = arith.constant 0 : i32
      %parallel_loop3A_223 = arith.addi %parallel_loop3A_222, %parallel_loop3A_199 : i32
      %parallel_loop3A_224 = arith.index_cast %parallel_loop3A_223 : i32 to index
      %parallel_loop3A_225 = arith.constant 16 : index
      %parallel_loop3A_226 = tpu.vector_load %arg9[%parallel_loop3A_224, %parallel_loop3A_225] {strides = array<i32>} : memref<400x64xf32, #tpu.memory_space<vmem>>, vector<1x16xf32>,
      %parallel_loop3A_227 = vector.shape_cast %parallel_loop3A_226 : vector<1x16xf32> to vector<16xf32>
      %parallel_loop3A_228 = vector.shape_cast %parallel_loop3A_221 : vector<16xf32> to vector<1x16xf32>
      tpu.vector_store %arg9[%parallel_loop3A_224, %parallel_loop3A_225], %parallel_loop3A_228 {add = true, strides = array<i32>} : memref<400x64xf32, #tpu.memory_space<vmem>>, vector<1x16xf32>,
      %parallel_loop3A_229 = arith.constant 200 : i32
      %parallel_loop3A_230 = arith.addi %parallel_loop3A_229, %parallel_loop3A_199 : i32
      %parallel_loop3A_231 = arith.index_cast %parallel_loop3A_230 : i32 to index
      %parallel_loop3A_232 = arith.constant 16 : index
      %parallel_loop3A_233 = tpu.vector_load %arg9[%parallel_loop3A_231, %parallel_loop3A_232] {strides = array<i32>} : memref<400x64xf32, #tpu.memory_space<vmem>>, vector<1x16xf32>,
      %parallel_loop3A_234 = vector.shape_cast %parallel_loop3A_233 : vector<1x16xf32> to vector<16xf32>
      %parallel_loop3A_235 = vector.shape_cast %parallel_loop3A_221 : vector<16xf32> to vector<1x16xf32>
      tpu.vector_store %arg9[%parallel_loop3A_231, %parallel_loop3A_232], %parallel_loop3A_235 {add = true, strides = array<i32>} : memref<400x64xf32, #tpu.memory_space<vmem>>, vector<1x16xf32>,
      %parallel_loop3A_236 = arith.index_cast %parallel_loop3A_199 : i32 to index
      %parallel_loop3A_237 = arith.constant 32 : index
      %parallel_loop3A_238 = tpu.vector_load %arg6[%parallel_loop3A_236, %parallel_loop3A_237] {strides = array<i32>} : memref<200x64xf32, #tpu.memory_space<vmem>>, vector<1x16xf32>,
      %parallel_loop3A_239 = vector.shape_cast %parallel_loop3A_238 : vector<1x16xf32> to vector<16xf32>
      %parallel_loop3A_240 = arith.constant 0 : i32
      %parallel_loop3A_241 = arith.addi %parallel_loop3A_240, %parallel_loop3A_199 : i32
      %parallel_loop3A_242 = arith.index_cast %parallel_loop3A_241 : i32 to index
      %parallel_loop3A_243 = arith.constant 32 : index
      %parallel_loop3A_244 = tpu.vector_load %arg9[%parallel_loop3A_242, %parallel_loop3A_243] {strides = array<i32>} : memref<400x64xf32, #tpu.memory_space<vmem>>, vector<1x16xf32>,
      %parallel_loop3A_245 = vector.shape_cast %parallel_loop3A_244 : vector<1x16xf32> to vector<16xf32>
      %parallel_loop3A_246 = vector.shape_cast %parallel_loop3A_239 : vector<16xf32> to vector<1x16xf32>
      tpu.vector_store %arg9[%parallel_loop3A_242, %parallel_loop3A_243], %parallel_loop3A_246 {add = true, strides = array<i32>} : memref<400x64xf32, #tpu.memory_space<vmem>>, vector<1x16xf32>,
      %parallel_loop3A_247 = arith.constant 200 : i32
      %parallel_loop3A_248 = arith.addi %parallel_loop3A_247, %parallel_loop3A_199 : i32
      %parallel_loop3A_249 = arith.index_cast %parallel_loop3A_248 : i32 to index
      %parallel_loop3A_250 = arith.constant 32 : index
      %parallel_loop3A_251 = tpu.vector_load %arg9[%parallel_loop3A_249, %parallel_loop3A_250] {strides = array<i32>} : memref<400x64xf32, #tpu.memory_space<vmem>>, vector<1x16xf32>,
      %parallel_loop3A_252 = vector.shape_cast %parallel_loop3A_251 : vector<1x16xf32> to vector<16xf32>
      %parallel_loop3A_253 = vector.shape_cast %parallel_loop3A_239 : vector<16xf32> to vector<1x16xf32>
      tpu.vector_store %arg9[%parallel_loop3A_249, %parallel_loop3A_250], %parallel_loop3A_253 {add = true, strides = array<i32>} : memref<400x64xf32, #tpu.memory_space<vmem>>, vector<1x16xf32>,
      %parallel_loop3A_254 = arith.index_cast %parallel_loop3A_199 : i32 to index
      %parallel_loop3A_255 = arith.constant 48 : index
      %parallel_loop3A_256 = tpu.vector_load %arg6[%parallel_loop3A_254, %parallel_loop3A_255] {strides = array<i32>} : memref<200x64xf32, #tpu.memory_space<vmem>>, vector<1x16xf32>,
      %parallel_loop3A_257 = vector.shape_cast %parallel_loop3A_256 : vector<1x16xf32> to vector<16xf32>
      %parallel_loop3A_258 = arith.constant 0 : i32
      %parallel_loop3A_259 = arith.addi %parallel_loop3A_258, %parallel_loop3A_199 : i32
      %parallel_loop3A_260 = arith.index_cast %parallel_loop3A_259 : i32 to index
      %parallel_loop3A_261 = arith.constant 48 : index
      %parallel_loop3A_262 = tpu.vector_load %arg9[%parallel_loop3A_260, %parallel_loop3A_261] {strides = array<i32>} : memref<400x64xf32, #tpu.memory_space<vmem>>, vector<1x16xf32>,
      %parallel_loop3A_263 = vector.shape_cast %parallel_loop3A_262 : vector<1x16xf32> to vector<16xf32>
      %parallel_loop3A_264 = vector.shape_cast %parallel_loop3A_257 : vector<16xf32> to vector<1x16xf32>
      tpu.vector_store %arg9[%parallel_loop3A_260, %parallel_loop3A_261], %parallel_loop3A_264 {add = true, strides = array<i32>} : memref<400x64xf32, #tpu.memory_space<vmem>>, vector<1x16xf32>,
      %parallel_loop3A_265 = arith.constant 200 : i32
      %parallel_loop3A_266 = arith.addi %parallel_loop3A_265, %parallel_loop3A_199 : i32
      %parallel_loop3A_267 = arith.index_cast %parallel_loop3A_266 : i32 to index
      %parallel_loop3A_268 = arith.constant 48 : index
      %parallel_loop3A_269 = tpu.vector_load %arg9[%parallel_loop3A_267, %parallel_loop3A_268] {strides = array<i32>} : memref<400x64xf32, #tpu.memory_space<vmem>>, vector<1x16xf32>,
      %parallel_loop3A_270 = vector.shape_cast %parallel_loop3A_269 : vector<1x16xf32> to vector<16xf32>
      %parallel_loop3A_271 = vector.shape_cast %parallel_loop3A_257 : vector<16xf32> to vector<1x16xf32>
      tpu.vector_store %arg9[%parallel_loop3A_267, %parallel_loop3A_268], %parallel_loop3A_271 {add = true, strides = array<i32>} : memref<400x64xf32, #tpu.memory_space<vmem>>, vector<1x16xf32>,
    } {sc.loop_unroll_factor = 8 : i64, sc.parallel_access}
    %add3A_173 = arith.constant 400 : i32
    %add3A_174 = arith.addi %multiple_of3A, %add3A_173 : i32
    %multiple_of3A_175 = tpu.assume_multiple %add3A_174, 400 : i32
    %dma_start3A_176 = arith.constant 0 : i32
    %dma_start3A_177 = tpu.memref_slice %arg5[%multiple_of3A_175, %dma_start3A_176] : memref<819200x64xf32, #tpu.memory_space<hbm>> -> memref<400x64xf32, #tpu.memory_space<hbm>>
    %dma_start3A_178 = arith.constant 0 : i32
    %dma_start3A_179 = tpu.memref_slice %arg5[%multiple_of3A_175, %dma_start3A_178] : memref<819200x64xf32, #tpu.memory_space<hbm>> -> memref<400x64xf32, #tpu.memory_space<hbm>>
    tpu.enqueue_dma source(%arg9 : memref<400x64xf32, #tpu.memory_space<vmem>>) target(%dma_start3A_179 : memref<400x64xf32, #tpu.memory_space<hbm>>) target_semaphore(%arg12 : memref<!tpu.dma_semaphore, #tpu.memory_space<semaphore_mem>>)
    %scan3A = arith.constant 0 : i32
    %scan3A_180 = arith.constant 0 : i32
    %scan3A_181 = arith.constant 31 : i32
    %scan3A_182 = arith.addi %scan3A_180, %scan3A_181 : i32
    %scan3A_183 = arith.constant 1 : i32
    scf.for %scan3A_199 = %scan3A_180 to %scan3A_182 step %scan3A_183  : i32 {
      %mul3A_200 = arith.constant 2 : i32
      %mul3A_201 = arith.muli %scan3A_199, %mul3A_200 : i32
      %add3A_202 = arith.constant 2 : i32
      %add3A_203 = arith.addi %add3A_202, %mul3A_201 : i32
      %add3A_204 = arith.constant 0 : i32
      %add3A_205 = arith.addi %add3A_203, %add3A_204 : i32
      %sub3A = arith.constant 2 : i32
      %sub3A_206 = arith.subi %add3A_205, %sub3A : i32
      %mul3A_207 = arith.constant 400 : i32
      %mul3A_208 = arith.muli %sub3A_206, %mul3A_207 : i32
      %add3A_209 = arith.addi %multiple_of3A, %mul3A_208 : i32
      %multiple_of3A_210 = tpu.assume_multiple %add3A_209, 400 : i32
      %dma_wait3A_211 = arith.constant 0 : i32
      %dma_wait3A_212 = tpu.memref_slice %arg5[%multiple_of3A_210, %dma_wait3A_211] : memref<819200x64xf32, #tpu.memory_space<hbm>> -> memref<400x64xf32, #tpu.memory_space<hbm>>
      %dma_wait3A_213 = arith.constant 0 : i32
      %dma_wait3A_214 = tpu.memref_slice %arg5[%multiple_of3A_210, %dma_wait3A_213] : memref<819200x64xf32, #tpu.memory_space<hbm>> -> memref<400x64xf32, #tpu.memory_space<hbm>>
      tpu.wait_dma2 semaphore(%arg11 : memref<!tpu.dma_semaphore, #tpu.memory_space<semaphore_mem>>) src(%arg8 : memref<400x64xf32, #tpu.memory_space<vmem>>) dst(%dma_wait3A_214 : memref<400x64xf32, #tpu.memory_space<hbm>>)
      %mul3A_215 = arith.constant 400 : i32
      %mul3A_216 = arith.muli %add3A_205, %mul3A_215 : i32
      %add3A_217 = arith.constant 0 : i32
      %add3A_218 = arith.addi %mul3A_216, %add3A_217 : i32
      %multiple_of3A_219 = tpu.assume_multiple %add3A_218, 80 : i32
      %dma_start3A_220 = arith.constant 0 : i32
      %dma_start3A_221 = arith.constant 0 : i32
      %dma_start3A_222 = tpu.memref_slice %arg8[%dma_start3A_220, %dma_start3A_221] : memref<400x64xf32, #tpu.memory_space<vmem>> -> memref<80x64xf32, #tpu.memory_space<vmem>>
      %dma_start3A_223 = tpu.memref_slice %arg7[%multiple_of3A_219] : memref<25600xi32, #tpu.memory_space<vmem>> -> memref<80xi32, #tpu.memory_space<vmem>>
      %dma_start3A_224 = arith.constant 0 : i32
      %dma_start3A_225 = arith.constant 0 : i32
      %dma_start3A_226 = tpu.memref_slice %arg3[%dma_start3A_224, %dma_start3A_225] : memref<1000000x64xf32, #tpu.memory_space<hbm>> -> memref<1000000x64xf32, #tpu.memory_space<hbm>>
      tpu.enqueue_indirect_dma source(%dma_start3A_226 : memref<1000000x64xf32, #tpu.memory_space<hbm>>) target(%dma_start3A_222 : memref<80x64xf32, #tpu.memory_space<vmem>>) offsets(%dma_start3A_223 : memref<80xi32, #tpu.memory_space<vmem>>) semaphore(%arg10 : memref<!tpu.dma_semaphore, #tpu.memory_space<semaphore_mem>>)
      %mul3A_227 = arith.constant 400 : i32
      %mul3A_228 = arith.muli %add3A_205, %mul3A_227 : i32
      %add3A_229 = arith.constant 80 : i32
      %add3A_230 = arith.addi %mul3A_228, %add3A_229 : i32
      %multiple_of3A_231 = tpu.assume_multiple %add3A_230, 80 : i32
      %dma_start3A_232 = arith.constant 80 : i32
      %dma_start3A_233 = arith.constant 0 : i32
      %dma_start3A_234 = tpu.memref_slice %arg8[%dma_start3A_232, %dma_start3A_233] : memref<400x64xf32, #tpu.memory_space<vmem>> -> memref<80x64xf32, #tpu.memory_space<vmem>>
      %dma_start3A_235 = tpu.memref_slice %arg7[%multiple_of3A_231] : memref<25600xi32, #tpu.memory_space<vmem>> -> memref<80xi32, #tpu.memory_space<vmem>>
      %dma_start3A_236 = arith.constant 0 : i32
      %dma_start3A_237 = arith.constant 0 : i32
      %dma_start3A_238 = tpu.memref_slice %arg3[%dma_start3A_236, %dma_start3A_237] : memref<1000000x64xf32, #tpu.memory_space<hbm>> -> memref<1000000x64xf32, #tpu.memory_space<hbm>>
      tpu.enqueue_indirect_dma source(%dma_start3A_238 : memref<1000000x64xf32, #tpu.memory_space<hbm>>) target(%dma_start3A_234 : memref<80x64xf32, #tpu.memory_space<vmem>>) offsets(%dma_start3A_235 : memref<80xi32, #tpu.memory_space<vmem>>) semaphore(%arg10 : memref<!tpu.dma_semaphore, #tpu.memory_space<semaphore_mem>>)
      %mul3A_239 = arith.constant 400 : i32
      %mul3A_240 = arith.muli %add3A_205, %mul3A_239 : i32
      %add3A_241 = arith.constant 160 : i32
      %add3A_242 = arith.addi %mul3A_240, %add3A_241 : i32
      %multiple_of3A_243 = tpu.assume_multiple %add3A_242, 80 : i32
      %dma_start3A_244 = arith.constant 160 : i32
      %dma_start3A_245 = arith.constant 0 : i32
      %dma_start3A_246 = tpu.memref_slice %arg8[%dma_start3A_244, %dma_start3A_245] : memref<400x64xf32, #tpu.memory_space<vmem>> -> memref<80x64xf32, #tpu.memory_space<vmem>>
      %dma_start3A_247 = tpu.memref_slice %arg7[%multiple_of3A_243] : memref<25600xi32, #tpu.memory_space<vmem>> -> memref<80xi32, #tpu.memory_space<vmem>>
      %dma_start3A_248 = arith.constant 0 : i32
      %dma_start3A_249 = arith.constant 0 : i32
      %dma_start3A_250 = tpu.memref_slice %arg3[%dma_start3A_248, %dma_start3A_249] : memref<1000000x64xf32, #tpu.memory_space<hbm>> -> memref<1000000x64xf32, #tpu.memory_space<hbm>>
      tpu.enqueue_indirect_dma source(%dma_start3A_250 : memref<1000000x64xf32, #tpu.memory_space<hbm>>) target(%dma_start3A_246 : memref<80x64xf32, #tpu.memory_space<vmem>>) offsets(%dma_start3A_247 : memref<80xi32, #tpu.memory_space<vmem>>) semaphore(%arg10 : memref<!tpu.dma_semaphore, #tpu.memory_space<semaphore_mem>>)
      %mul3A_251 = arith.constant 400 : i32
      %mul3A_252 = arith.muli %add3A_205, %mul3A_251 : i32
      %add3A_253 = arith.constant 240 : i32
      %add3A_254 = arith.addi %mul3A_252, %add3A_253 : i32
      %multiple_of3A_255 = tpu.assume_multiple %add3A_254, 80 : i32
      %dma_start3A_256 = arith.constant 240 : i32
      %dma_start3A_257 = arith.constant 0 : i32
      %dma_start3A_258 = tpu.memref_slice %arg8[%dma_start3A_256, %dma_start3A_257] : memref<400x64xf32, #tpu.memory_space<vmem>> -> memref<80x64xf32, #tpu.memory_space<vmem>>
      %dma_start3A_259 = tpu.memref_slice %arg7[%multiple_of3A_255] : memref<25600xi32, #tpu.memory_space<vmem>> -> memref<80xi32, #tpu.memory_space<vmem>>
      %dma_start3A_260 = arith.constant 0 : i32
      %dma_start3A_261 = arith.constant 0 : i32
      %dma_start3A_262 = tpu.memref_slice %arg3[%dma_start3A_260, %dma_start3A_261] : memref<1000000x64xf32, #tpu.memory_space<hbm>> -> memref<1000000x64xf32, #tpu.memory_space<hbm>>
      tpu.enqueue_indirect_dma source(%dma_start3A_262 : memref<1000000x64xf32, #tpu.memory_space<hbm>>) target(%dma_start3A_258 : memref<80x64xf32, #tpu.memory_space<vmem>>) offsets(%dma_start3A_259 : memref<80xi32, #tpu.memory_space<vmem>>) semaphore(%arg10 : memref<!tpu.dma_semaphore, #tpu.memory_space<semaphore_mem>>)
      %mul3A_263 = arith.constant 400 : i32
      %mul3A_264 = arith.muli %add3A_205, %mul3A_263 : i32
      %add3A_265 = arith.constant 320 : i32
      %add3A_266 = arith.addi %mul3A_264, %add3A_265 : i32
      %multiple_of3A_267 = tpu.assume_multiple %add3A_266, 80 : i32
      %dma_start3A_268 = arith.constant 320 : i32
      %dma_start3A_269 = arith.constant 0 : i32
      %dma_start3A_270 = tpu.memref_slice %arg8[%dma_start3A_268, %dma_start3A_269] : memref<400x64xf32, #tpu.memory_space<vmem>> -> memref<80x64xf32, #tpu.memory_space<vmem>>
      %dma_start3A_271 = tpu.memref_slice %arg7[%multiple_of3A_267] : memref<25600xi32, #tpu.memory_space<vmem>> -> memref<80xi32, #tpu.memory_space<vmem>>
      %dma_start3A_272 = arith.constant 0 : i32
      %dma_start3A_273 = arith.constant 0 : i32
      %dma_start3A_274 = tpu.memref_slice %arg3[%dma_start3A_272, %dma_start3A_273] : memref<1000000x64xf32, #tpu.memory_space<hbm>> -> memref<1000000x64xf32, #tpu.memory_space<hbm>>
      tpu.enqueue_indirect_dma source(%dma_start3A_274 : memref<1000000x64xf32, #tpu.memory_space<hbm>>) target(%dma_start3A_270 : memref<80x64xf32, #tpu.memory_space<vmem>>) offsets(%dma_start3A_271 : memref<80xi32, #tpu.memory_space<vmem>>) semaphore(%arg10 : memref<!tpu.dma_semaphore, #tpu.memory_space<semaphore_mem>>)
      %dma_wait3A_275 = arith.constant 0 : i32
      %dma_wait3A_276 = arith.constant 0 : i32
      %dma_wait3A_277 = tpu.memref_slice %arg8[%dma_wait3A_275, %dma_wait3A_276] : memref<400x64xf32, #tpu.memory_space<vmem>> -> memref<80x64xf32, #tpu.memory_space<vmem>>
      %dma_wait3A_278 = tpu.memref_slice %arg7[%multiple_of3A_219] : memref<25600xi32, #tpu.memory_space<vmem>> -> memref<80xi32, #tpu.memory_space<vmem>>
      %dma_wait3A_279 = arith.constant 0 : i32
      %dma_wait3A_280 = arith.constant 0 : i32
      %dma_wait3A_281 = tpu.memref_slice %arg3[%dma_wait3A_279, %dma_wait3A_280] : memref<1000000x64xf32, #tpu.memory_space<hbm>> -> memref<1000000x64xf32, #tpu.memory_space<hbm>>
      tpu.wait_indirect_dma semaphore(%arg10 : memref<!tpu.dma_semaphore, #tpu.memory_space<semaphore_mem>>) src(%dma_wait3A_281 : memref<1000000x64xf32, #tpu.memory_space<hbm>>) dst(%dma_wait3A_277 : memref<80x64xf32, #tpu.memory_space<vmem>>)
      %dma_wait3A_282 = arith.constant 80 : i32
      %dma_wait3A_283 = arith.constant 0 : i32
      %dma_wait3A_284 = tpu.memref_slice %arg8[%dma_wait3A_282, %dma_wait3A_283] : memref<400x64xf32, #tpu.memory_space<vmem>> -> memref<80x64xf32, #tpu.memory_space<vmem>>
      %dma_wait3A_285 = tpu.memref_slice %arg7[%multiple_of3A_231] : memref<25600xi32, #tpu.memory_space<vmem>> -> memref<80xi32, #tpu.memory_space<vmem>>
      %dma_wait3A_286 = arith.constant 0 : i32
      %dma_wait3A_287 = arith.constant 0 : i32
      %dma_wait3A_288 = tpu.memref_slice %arg3[%dma_wait3A_286, %dma_wait3A_287] : memref<1000000x64xf32, #tpu.memory_space<hbm>> -> memref<1000000x64xf32, #tpu.memory_space<hbm>>
      tpu.wait_indirect_dma semaphore(%arg10 : memref<!tpu.dma_semaphore, #tpu.memory_space<semaphore_mem>>) src(%dma_wait3A_288 : memref<1000000x64xf32, #tpu.memory_space<hbm>>) dst(%dma_wait3A_284 : memref<80x64xf32, #tpu.memory_space<vmem>>)
      %dma_wait3A_289 = arith.constant 160 : i32
      %dma_wait3A_290 = arith.constant 0 : i32
      %dma_wait3A_291 = tpu.memref_slice %arg8[%dma_wait3A_289, %dma_wait3A_290] : memref<400x64xf32, #tpu.memory_space<vmem>> -> memref<80x64xf32, #tpu.memory_space<vmem>>
      %dma_wait3A_292 = tpu.memref_slice %arg7[%multiple_of3A_243] : memref<25600xi32, #tpu.memory_space<vmem>> -> memref<80xi32, #tpu.memory_space<vmem>>
      %dma_wait3A_293 = arith.constant 0 : i32
      %dma_wait3A_294 = arith.constant 0 : i32
      %dma_wait3A_295 = tpu.memref_slice %arg3[%dma_wait3A_293, %dma_wait3A_294] : memref<1000000x64xf32, #tpu.memory_space<hbm>> -> memref<1000000x64xf32, #tpu.memory_space<hbm>>
      tpu.wait_indirect_dma semaphore(%arg10 : memref<!tpu.dma_semaphore, #tpu.memory_space<semaphore_mem>>) src(%dma_wait3A_295 : memref<1000000x64xf32, #tpu.memory_space<hbm>>) dst(%dma_wait3A_291 : memref<80x64xf32, #tpu.memory_space<vmem>>)
      %dma_wait3A_296 = arith.constant 240 : i32
      %dma_wait3A_297 = arith.constant 0 : i32
      %dma_wait3A_298 = tpu.memref_slice %arg8[%dma_wait3A_296, %dma_wait3A_297] : memref<400x64xf32, #tpu.memory_space<vmem>> -> memref<80x64xf32, #tpu.memory_space<vmem>>
      %dma_wait3A_299 = tpu.memref_slice %arg7[%multiple_of3A_255] : memref<25600xi32, #tpu.memory_space<vmem>> -> memref<80xi32, #tpu.memory_space<vmem>>
      %dma_wait3A_300 = arith.constant 0 : i32
      %dma_wait3A_301 = arith.constant 0 : i32
      %dma_wait3A_302 = tpu.memref_slice %arg3[%dma_wait3A_300, %dma_wait3A_301] : memref<1000000x64xf32, #tpu.memory_space<hbm>> -> memref<1000000x64xf32, #tpu.memory_space<hbm>>
      tpu.wait_indirect_dma semaphore(%arg10 : memref<!tpu.dma_semaphore, #tpu.memory_space<semaphore_mem>>) src(%dma_wait3A_302 : memref<1000000x64xf32, #tpu.memory_space<hbm>>) dst(%dma_wait3A_298 : memref<80x64xf32, #tpu.memory_space<vmem>>)
      %dma_wait3A_303 = arith.constant 320 : i32
      %dma_wait3A_304 = arith.constant 0 : i32
      %dma_wait3A_305 = tpu.memref_slice %arg8[%dma_wait3A_303, %dma_wait3A_304] : memref<400x64xf32, #tpu.memory_space<vmem>> -> memref<80x64xf32, #tpu.memory_space<vmem>>
      %dma_wait3A_306 = tpu.memref_slice %arg7[%multiple_of3A_267] : memref<25600xi32, #tpu.memory_space<vmem>> -> memref<80xi32, #tpu.memory_space<vmem>>
      %dma_wait3A_307 = arith.constant 0 : i32
      %dma_wait3A_308 = arith.constant 0 : i32
      %dma_wait3A_309 = tpu.memref_slice %arg3[%dma_wait3A_307, %dma_wait3A_308] : memref<1000000x64xf32, #tpu.memory_space<hbm>> -> memref<1000000x64xf32, #tpu.memory_space<hbm>>
      tpu.wait_indirect_dma semaphore(%arg10 : memref<!tpu.dma_semaphore, #tpu.memory_space<semaphore_mem>>) src(%dma_wait3A_309 : memref<1000000x64xf32, #tpu.memory_space<hbm>>) dst(%dma_wait3A_305 : memref<80x64xf32, #tpu.memory_space<vmem>>)
      %parallel_loop3A_310 = arith.constant 0 : i32
      %parallel_loop3A_311 = arith.constant 200 : i32
      %parallel_loop3A_312 = arith.constant 1 : i32
      scf.for %parallel_loop3A_439 = %parallel_loop3A_310 to %parallel_loop3A_311 step %parallel_loop3A_312  : i32 {
        %parallel_loop3A_440 = arith.index_cast %parallel_loop3A_439 : i32 to index
        %parallel_loop3A_441 = arith.constant 0 : index
        %parallel_loop3A_442 = tpu.vector_load %arg6[%parallel_loop3A_440, %parallel_loop3A_441] {strides = array<i32>} : memref<200x64xf32, #tpu.memory_space<vmem>>, vector<1x16xf32>,
        %parallel_loop3A_443 = vector.shape_cast %parallel_loop3A_442 : vector<1x16xf32> to vector<16xf32>
        %parallel_loop3A_444 = arith.constant 0 : i32
        %parallel_loop3A_445 = arith.addi %parallel_loop3A_444, %parallel_loop3A_439 : i32
        %parallel_loop3A_446 = arith.index_cast %parallel_loop3A_445 : i32 to index
        %parallel_loop3A_447 = arith.constant 0 : index
        %parallel_loop3A_448 = tpu.vector_load %arg8[%parallel_loop3A_446, %parallel_loop3A_447] {strides = array<i32>} : memref<400x64xf32, #tpu.memory_space<vmem>>, vector<1x16xf32>,
        %parallel_loop3A_449 = vector.shape_cast %parallel_loop3A_448 : vector<1x16xf32> to vector<16xf32>
        %parallel_loop3A_450 = vector.shape_cast %parallel_loop3A_443 : vector<16xf32> to vector<1x16xf32>
        tpu.vector_store %arg8[%parallel_loop3A_446, %parallel_loop3A_447], %parallel_loop3A_450 {add = true, strides = array<i32>} : memref<400x64xf32, #tpu.memory_space<vmem>>, vector<1x16xf32>,
        %parallel_loop3A_451 = arith.constant 200 : i32
        %parallel_loop3A_452 = arith.addi %parallel_loop3A_451, %parallel_loop3A_439 : i32
        %parallel_loop3A_453 = arith.index_cast %parallel_loop3A_452 : i32 to index
        %parallel_loop3A_454 = arith.constant 0 : index
        %parallel_loop3A_455 = tpu.vector_load %arg8[%parallel_loop3A_453, %parallel_loop3A_454] {strides = array<i32>} : memref<400x64xf32, #tpu.memory_space<vmem>>, vector<1x16xf32>,
        %parallel_loop3A_456 = vector.shape_cast %parallel_loop3A_455 : vector<1x16xf32> to vector<16xf32>
        %parallel_loop3A_457 = vector.shape_cast %parallel_loop3A_443 : vector<16xf32> to vector<1x16xf32>
        tpu.vector_store %arg8[%parallel_loop3A_453, %parallel_loop3A_454], %parallel_loop3A_457 {add = true, strides = array<i32>} : memref<400x64xf32, #tpu.memory_space<vmem>>, vector<1x16xf32>,
        %parallel_loop3A_458 = arith.index_cast %parallel_loop3A_439 : i32 to index
        %parallel_loop3A_459 = arith.constant 16 : index
        %parallel_loop3A_460 = tpu.vector_load %arg6[%parallel_loop3A_458, %parallel_loop3A_459] {strides = array<i32>} : memref<200x64xf32, #tpu.memory_space<vmem>>, vector<1x16xf32>,
        %parallel_loop3A_461 = vector.shape_cast %parallel_loop3A_460 : vector<1x16xf32> to vector<16xf32>
        %parallel_loop3A_462 = arith.constant 0 : i32
        %parallel_loop3A_463 = arith.addi %parallel_loop3A_462, %parallel_loop3A_439 : i32
        %parallel_loop3A_464 = arith.index_cast %parallel_loop3A_463 : i32 to index
        %parallel_loop3A_465 = arith.constant 16 : index
        %parallel_loop3A_466 = tpu.vector_load %arg8[%parallel_loop3A_464, %parallel_loop3A_465] {strides = array<i32>} : memref<400x64xf32, #tpu.memory_space<vmem>>, vector<1x16xf32>,
        %parallel_loop3A_467 = vector.shape_cast %parallel_loop3A_466 : vector<1x16xf32> to vector<16xf32>
        %parallel_loop3A_468 = vector.shape_cast %parallel_loop3A_461 : vector<16xf32> to vector<1x16xf32>
        tpu.vector_store %arg8[%parallel_loop3A_464, %parallel_loop3A_465], %parallel_loop3A_468 {add = true, strides = array<i32>} : memref<400x64xf32, #tpu.memory_space<vmem>>, vector<1x16xf32>,
        %parallel_loop3A_469 = arith.constant 200 : i32
        %parallel_loop3A_470 = arith.addi %parallel_loop3A_469, %parallel_loop3A_439 : i32
        %parallel_loop3A_471 = arith.index_cast %parallel_loop3A_470 : i32 to index
        %parallel_loop3A_472 = arith.constant 16 : index
        %parallel_loop3A_473 = tpu.vector_load %arg8[%parallel_loop3A_471, %parallel_loop3A_472] {strides = array<i32>} : memref<400x64xf32, #tpu.memory_space<vmem>>, vector<1x16xf32>,
        %parallel_loop3A_474 = vector.shape_cast %parallel_loop3A_473 : vector<1x16xf32> to vector<16xf32>
        %parallel_loop3A_475 = vector.shape_cast %parallel_loop3A_461 : vector<16xf32> to vector<1x16xf32>
        tpu.vector_store %arg8[%parallel_loop3A_471, %parallel_loop3A_472], %parallel_loop3A_475 {add = true, strides = array<i32>} : memref<400x64xf32, #tpu.memory_space<vmem>>, vector<1x16xf32>,
        %parallel_loop3A_476 = arith.index_cast %parallel_loop3A_439 : i32 to index
        %parallel_loop3A_477 = arith.constant 32 : index
        %parallel_loop3A_478 = tpu.vector_load %arg6[%parallel_loop3A_476, %parallel_loop3A_477] {strides = array<i32>} : memref<200x64xf32, #tpu.memory_space<vmem>>, vector<1x16xf32>,
        %parallel_loop3A_479 = vector.shape_cast %parallel_loop3A_478 : vector<1x16xf32> to vector<16xf32>
        %parallel_loop3A_480 = arith.constant 0 : i32
        %parallel_loop3A_481 = arith.addi %parallel_loop3A_480, %parallel_loop3A_439 : i32
        %parallel_loop3A_482 = arith.index_cast %parallel_loop3A_481 : i32 to index
        %parallel_loop3A_483 = arith.constant 32 : index
        %parallel_loop3A_484 = tpu.vector_load %arg8[%parallel_loop3A_482, %parallel_loop3A_483] {strides = array<i32>} : memref<400x64xf32, #tpu.memory_space<vmem>>, vector<1x16xf32>,
        %parallel_loop3A_485 = vector.shape_cast %parallel_loop3A_484 : vector<1x16xf32> to vector<16xf32>
        %parallel_loop3A_486 = vector.shape_cast %parallel_loop3A_479 : vector<16xf32> to vector<1x16xf32>
        tpu.vector_store %arg8[%parallel_loop3A_482, %parallel_loop3A_483], %parallel_loop3A_486 {add = true, strides = array<i32>} : memref<400x64xf32, #tpu.memory_space<vmem>>, vector<1x16xf32>,
        %parallel_loop3A_487 = arith.constant 200 : i32
        %parallel_loop3A_488 = arith.addi %parallel_loop3A_487, %parallel_loop3A_439 : i32
        %parallel_loop3A_489 = arith.index_cast %parallel_loop3A_488 : i32 to index
        %parallel_loop3A_490 = arith.constant 32 : index
        %parallel_loop3A_491 = tpu.vector_load %arg8[%parallel_loop3A_489, %parallel_loop3A_490] {strides = array<i32>} : memref<400x64xf32, #tpu.memory_space<vmem>>, vector<1x16xf32>,
        %parallel_loop3A_492 = vector.shape_cast %parallel_loop3A_491 : vector<1x16xf32> to vector<16xf32>
        %parallel_loop3A_493 = vector.shape_cast %parallel_loop3A_479 : vector<16xf32> to vector<1x16xf32>
        tpu.vector_store %arg8[%parallel_loop3A_489, %parallel_loop3A_490], %parallel_loop3A_493 {add = true, strides = array<i32>} : memref<400x64xf32, #tpu.memory_space<vmem>>, vector<1x16xf32>,
        %parallel_loop3A_494 = arith.index_cast %parallel_loop3A_439 : i32 to index
        %parallel_loop3A_495 = arith.constant 48 : index
        %parallel_loop3A_496 = tpu.vector_load %arg6[%parallel_loop3A_494, %parallel_loop3A_495] {strides = array<i32>} : memref<200x64xf32, #tpu.memory_space<vmem>>, vector<1x16xf32>,
        %parallel_loop3A_497 = vector.shape_cast %parallel_loop3A_496 : vector<1x16xf32> to vector<16xf32>
        %parallel_loop3A_498 = arith.constant 0 : i32
        %parallel_loop3A_499 = arith.addi %parallel_loop3A_498, %parallel_loop3A_439 : i32
        %parallel_loop3A_500 = arith.index_cast %parallel_loop3A_499 : i32 to index
        %parallel_loop3A_501 = arith.constant 48 : index
        %parallel_loop3A_502 = tpu.vector_load %arg8[%parallel_loop3A_500, %parallel_loop3A_501] {strides = array<i32>} : memref<400x64xf32, #tpu.memory_space<vmem>>, vector<1x16xf32>,
        %parallel_loop3A_503 = vector.shape_cast %parallel_loop3A_502 : vector<1x16xf32> to vector<16xf32>
        %parallel_loop3A_504 = vector.shape_cast %parallel_loop3A_497 : vector<16xf32> to vector<1x16xf32>
        tpu.vector_store %arg8[%parallel_loop3A_500, %parallel_loop3A_501], %parallel_loop3A_504 {add = true, strides = array<i32>} : memref<400x64xf32, #tpu.memory_space<vmem>>, vector<1x16xf32>,
        %parallel_loop3A_505 = arith.constant 200 : i32
        %parallel_loop3A_506 = arith.addi %parallel_loop3A_505, %parallel_loop3A_439 : i32
        %parallel_loop3A_507 = arith.index_cast %parallel_loop3A_506 : i32 to index
        %parallel_loop3A_508 = arith.constant 48 : index
        %parallel_loop3A_509 = tpu.vector_load %arg8[%parallel_loop3A_507, %parallel_loop3A_508] {strides = array<i32>} : memref<400x64xf32, #tpu.memory_space<vmem>>, vector<1x16xf32>,
        %parallel_loop3A_510 = vector.shape_cast %parallel_loop3A_509 : vector<1x16xf32> to vector<16xf32>
        %parallel_loop3A_511 = vector.shape_cast %parallel_loop3A_497 : vector<16xf32> to vector<1x16xf32>
        tpu.vector_store %arg8[%parallel_loop3A_507, %parallel_loop3A_508], %parallel_loop3A_511 {add = true, strides = array<i32>} : memref<400x64xf32, #tpu.memory_space<vmem>>, vector<1x16xf32>,
      } {sc.loop_unroll_factor = 8 : i64, sc.parallel_access}
      %mul3A_313 = arith.constant 400 : i32
      %mul3A_314 = arith.muli %add3A_205, %mul3A_313 : i32
      %add3A_315 = arith.addi %multiple_of3A, %mul3A_314 : i32
      %multiple_of3A_316 = tpu.assume_multiple %add3A_315, 400 : i32
      %dma_start3A_317 = arith.constant 0 : i32
      %dma_start3A_318 = tpu.memref_slice %arg5[%multiple_of3A_316, %dma_start3A_317] : memref<819200x64xf32, #tpu.memory_space<hbm>> -> memref<400x64xf32, #tpu.memory_space<hbm>>
      %dma_start3A_319 = arith.constant 0 : i32
      %dma_start3A_320 = tpu.memref_slice %arg5[%multiple_of3A_316, %dma_start3A_319] : memref<819200x64xf32, #tpu.memory_space<hbm>> -> memref<400x64xf32, #tpu.memory_space<hbm>>
      tpu.enqueue_dma source(%arg8 : memref<400x64xf32, #tpu.memory_space<vmem>>) target(%dma_start3A_320 : memref<400x64xf32, #tpu.memory_space<hbm>>) target_semaphore(%arg11 : memref<!tpu.dma_semaphore, #tpu.memory_space<semaphore_mem>>)
      %add3A_321 = arith.constant 1 : i32
      %add3A_322 = arith.addi %add3A_203, %add3A_321 : i32
      %sub3A_323 = arith.constant 2 : i32
      %sub3A_324 = arith.subi %add3A_322, %sub3A_323 : i32
      %mul3A_325 = arith.constant 400 : i32
      %mul3A_326 = arith.muli %sub3A_324, %mul3A_325 : i32
      %add3A_327 = arith.addi %multiple_of3A, %mul3A_326 : i32
      %multiple_of3A_328 = tpu.assume_multiple %add3A_327, 400 : i32
      %dma_wait3A_329 = arith.constant 0 : i32
      %dma_wait3A_330 = tpu.memref_slice %arg5[%multiple_of3A_328, %dma_wait3A_329] : memref<819200x64xf32, #tpu.memory_space<hbm>> -> memref<400x64xf32, #tpu.memory_space<hbm>>
      %dma_wait3A_331 = arith.constant 0 : i32
      %dma_wait3A_332 = tpu.memref_slice %arg5[%multiple_of3A_328, %dma_wait3A_331] : memref<819200x64xf32, #tpu.memory_space<hbm>> -> memref<400x64xf32, #tpu.memory_space<hbm>>
      tpu.wait_dma2 semaphore(%arg12 : memref<!tpu.dma_semaphore, #tpu.memory_space<semaphore_mem>>) src(%arg9 : memref<400x64xf32, #tpu.memory_space<vmem>>) dst(%dma_wait3A_332 : memref<400x64xf32, #tpu.memory_space<hbm>>)
      %mul3A_333 = arith.constant 400 : i32
      %mul3A_334 = arith.muli %add3A_322, %mul3A_333 : i32
      %add3A_335 = arith.constant 0 : i32
      %add3A_336 = arith.addi %mul3A_334, %add3A_335 : i32
      %multiple_of3A_337 = tpu.assume_multiple %add3A_336, 80 : i32
      %dma_start3A_338 = arith.constant 0 : i32
      %dma_start3A_339 = arith.constant 0 : i32
      %dma_start3A_340 = tpu.memref_slice %arg9[%dma_start3A_338, %dma_start3A_339] : memref<400x64xf32, #tpu.memory_space<vmem>> -> memref<80x64xf32, #tpu.memory_space<vmem>>
      %dma_start3A_341 = tpu.memref_slice %arg7[%multiple_of3A_337] : memref<25600xi32, #tpu.memory_space<vmem>> -> memref<80xi32, #tpu.memory_space<vmem>>
      %dma_start3A_342 = arith.constant 0 : i32
      %dma_start3A_343 = arith.constant 0 : i32
      %dma_start3A_344 = tpu.memref_slice %arg3[%dma_start3A_342, %dma_start3A_343] : memref<1000000x64xf32, #tpu.memory_space<hbm>> -> memref<1000000x64xf32, #tpu.memory_space<hbm>>
      tpu.enqueue_indirect_dma source(%dma_start3A_344 : memref<1000000x64xf32, #tpu.memory_space<hbm>>) target(%dma_start3A_340 : memref<80x64xf32, #tpu.memory_space<vmem>>) offsets(%dma_start3A_341 : memref<80xi32, #tpu.memory_space<vmem>>) semaphore(%arg10 : memref<!tpu.dma_semaphore, #tpu.memory_space<semaphore_mem>>)
      %mul3A_345 = arith.constant 400 : i32
      %mul3A_346 = arith.muli %add3A_322, %mul3A_345 : i32
      %add3A_347 = arith.constant 80 : i32
      %add3A_348 = arith.addi %mul3A_346, %add3A_347 : i32
      %multiple_of3A_349 = tpu.assume_multiple %add3A_348, 80 : i32
      %dma_start3A_350 = arith.constant 80 : i32
      %dma_start3A_351 = arith.constant 0 : i32
      %dma_start3A_352 = tpu.memref_slice %arg9[%dma_start3A_350, %dma_start3A_351] : memref<400x64xf32, #tpu.memory_space<vmem>> -> memref<80x64xf32, #tpu.memory_space<vmem>>
      %dma_start3A_353 = tpu.memref_slice %arg7[%multiple_of3A_349] : memref<25600xi32, #tpu.memory_space<vmem>> -> memref<80xi32, #tpu.memory_space<vmem>>
      %dma_start3A_354 = arith.constant 0 : i32
      %dma_start3A_355 = arith.constant 0 : i32
      %dma_start3A_356 = tpu.memref_slice %arg3[%dma_start3A_354, %dma_start3A_355] : memref<1000000x64xf32, #tpu.memory_space<hbm>> -> memref<1000000x64xf32, #tpu.memory_space<hbm>>
      tpu.enqueue_indirect_dma source(%dma_start3A_356 : memref<1000000x64xf32, #tpu.memory_space<hbm>>) target(%dma_start3A_352 : memref<80x64xf32, #tpu.memory_space<vmem>>) offsets(%dma_start3A_353 : memref<80xi32, #tpu.memory_space<vmem>>) semaphore(%arg10 : memref<!tpu.dma_semaphore, #tpu.memory_space<semaphore_mem>>)
      %mul3A_357 = arith.constant 400 : i32
      %mul3A_358 = arith.muli %add3A_322, %mul3A_357 : i32
      %add3A_359 = arith.constant 160 : i32
      %add3A_360 = arith.addi %mul3A_358, %add3A_359 : i32
      %multiple_of3A_361 = tpu.assume_multiple %add3A_360, 80 : i32
      %dma_start3A_362 = arith.constant 160 : i32
      %dma_start3A_363 = arith.constant 0 : i32
      %dma_start3A_364 = tpu.memref_slice %arg9[%dma_start3A_362, %dma_start3A_363] : memref<400x64xf32, #tpu.memory_space<vmem>> -> memref<80x64xf32, #tpu.memory_space<vmem>>
      %dma_start3A_365 = tpu.memref_slice %arg7[%multiple_of3A_361] : memref<25600xi32, #tpu.memory_space<vmem>> -> memref<80xi32, #tpu.memory_space<vmem>>
      %dma_start3A_366 = arith.constant 0 : i32
      %dma_start3A_367 = arith.constant 0 : i32
      %dma_start3A_368 = tpu.memref_slice %arg3[%dma_start3A_366, %dma_start3A_367] : memref<1000000x64xf32, #tpu.memory_space<hbm>> -> memref<1000000x64xf32, #tpu.memory_space<hbm>>
      tpu.enqueue_indirect_dma source(%dma_start3A_368 : memref<1000000x64xf32, #tpu.memory_space<hbm>>) target(%dma_start3A_364 : memref<80x64xf32, #tpu.memory_space<vmem>>) offsets(%dma_start3A_365 : memref<80xi32, #tpu.memory_space<vmem>>) semaphore(%arg10 : memref<!tpu.dma_semaphore, #tpu.memory_space<semaphore_mem>>)
      %mul3A_369 = arith.constant 400 : i32
      %mul3A_370 = arith.muli %add3A_322, %mul3A_369 : i32
      %add3A_371 = arith.constant 240 : i32
      %add3A_372 = arith.addi %mul3A_370, %add3A_371 : i32
      %multiple_of3A_373 = tpu.assume_multiple %add3A_372, 80 : i32
      %dma_start3A_374 = arith.constant 240 : i32
      %dma_start3A_375 = arith.constant 0 : i32
      %dma_start3A_376 = tpu.memref_slice %arg9[%dma_start3A_374, %dma_start3A_375] : memref<400x64xf32, #tpu.memory_space<vmem>> -> memref<80x64xf32, #tpu.memory_space<vmem>>
      %dma_start3A_377 = tpu.memref_slice %arg7[%multiple_of3A_373] : memref<25600xi32, #tpu.memory_space<vmem>> -> memref<80xi32, #tpu.memory_space<vmem>>
      %dma_start3A_378 = arith.constant 0 : i32
      %dma_start3A_379 = arith.constant 0 : i32
      %dma_start3A_380 = tpu.memref_slice %arg3[%dma_start3A_378, %dma_start3A_379] : memref<1000000x64xf32, #tpu.memory_space<hbm>> -> memref<1000000x64xf32, #tpu.memory_space<hbm>>
      tpu.enqueue_indirect_dma source(%dma_start3A_380 : memref<1000000x64xf32, #tpu.memory_space<hbm>>) target(%dma_start3A_376 : memref<80x64xf32, #tpu.memory_space<vmem>>) offsets(%dma_start3A_377 : memref<80xi32, #tpu.memory_space<vmem>>) semaphore(%arg10 : memref<!tpu.dma_semaphore, #tpu.memory_space<semaphore_mem>>)
      %mul3A_381 = arith.constant 400 : i32
      %mul3A_382 = arith.muli %add3A_322, %mul3A_381 : i32
      %add3A_383 = arith.constant 320 : i32
      %add3A_384 = arith.addi %mul3A_382, %add3A_383 : i32
      %multiple_of3A_385 = tpu.assume_multiple %add3A_384, 80 : i32
      %dma_start3A_386 = arith.constant 320 : i32
      %dma_start3A_387 = arith.constant 0 : i32
      %dma_start3A_388 = tpu.memref_slice %arg9[%dma_start3A_386, %dma_start3A_387] : memref<400x64xf32, #tpu.memory_space<vmem>> -> memref<80x64xf32, #tpu.memory_space<vmem>>
      %dma_start3A_389 = tpu.memref_slice %arg7[%multiple_of3A_385] : memref<25600xi32, #tpu.memory_space<vmem>> -> memref<80xi32, #tpu.memory_space<vmem>>
      %dma_start3A_390 = arith.constant 0 : i32
      %dma_start3A_391 = arith.constant 0 : i32
      %dma_start3A_392 = tpu.memref_slice %arg3[%dma_start3A_390, %dma_start3A_391] : memref<1000000x64xf32, #tpu.memory_space<hbm>> -> memref<1000000x64xf32, #tpu.memory_space<hbm>>
      tpu.enqueue_indirect_dma source(%dma_start3A_392 : memref<1000000x64xf32, #tpu.memory_space<hbm>>) target(%dma_start3A_388 : memref<80x64xf32, #tpu.memory_space<vmem>>) offsets(%dma_start3A_389 : memref<80xi32, #tpu.memory_space<vmem>>) semaphore(%arg10 : memref<!tpu.dma_semaphore, #tpu.memory_space<semaphore_mem>>)
      %dma_wait3A_393 = arith.constant 0 : i32
      %dma_wait3A_394 = arith.constant 0 : i32
      %dma_wait3A_395 = tpu.memref_slice %arg9[%dma_wait3A_393, %dma_wait3A_394] : memref<400x64xf32, #tpu.memory_space<vmem>> -> memref<80x64xf32, #tpu.memory_space<vmem>>
      %dma_wait3A_396 = tpu.memref_slice %arg7[%multiple_of3A_337] : memref<25600xi32, #tpu.memory_space<vmem>> -> memref<80xi32, #tpu.memory_space<vmem>>
      %dma_wait3A_397 = arith.constant 0 : i32
      %dma_wait3A_398 = arith.constant 0 : i32
      %dma_wait3A_399 = tpu.memref_slice %arg3[%dma_wait3A_397, %dma_wait3A_398] : memref<1000000x64xf32, #tpu.memory_space<hbm>> -> memref<1000000x64xf32, #tpu.memory_space<hbm>>
      tpu.wait_indirect_dma semaphore(%arg10 : memref<!tpu.dma_semaphore, #tpu.memory_space<semaphore_mem>>) src(%dma_wait3A_399 : memref<1000000x64xf32, #tpu.memory_space<hbm>>) dst(%dma_wait3A_395 : memref<80x64xf32, #tpu.memory_space<vmem>>)
      %dma_wait3A_400 = arith.constant 80 : i32
      %dma_wait3A_401 = arith.constant 0 : i32
      %dma_wait3A_402 = tpu.memref_slice %arg9[%dma_wait3A_400, %dma_wait3A_401] : memref<400x64xf32, #tpu.memory_space<vmem>> -> memref<80x64xf32, #tpu.memory_space<vmem>>
      %dma_wait3A_403 = tpu.memref_slice %arg7[%multiple_of3A_349] : memref<25600xi32, #tpu.memory_space<vmem>> -> memref<80xi32, #tpu.memory_space<vmem>>
      %dma_wait3A_404 = arith.constant 0 : i32
      %dma_wait3A_405 = arith.constant 0 : i32
      %dma_wait3A_406 = tpu.memref_slice %arg3[%dma_wait3A_404, %dma_wait3A_405] : memref<1000000x64xf32, #tpu.memory_space<hbm>> -> memref<1000000x64xf32, #tpu.memory_space<hbm>>
      tpu.wait_indirect_dma semaphore(%arg10 : memref<!tpu.dma_semaphore, #tpu.memory_space<semaphore_mem>>) src(%dma_wait3A_406 : memref<1000000x64xf32, #tpu.memory_space<hbm>>) dst(%dma_wait3A_402 : memref<80x64xf32, #tpu.memory_space<vmem>>)
      %dma_wait3A_407 = arith.constant 160 : i32
      %dma_wait3A_408 = arith.constant 0 : i32
      %dma_wait3A_409 = tpu.memref_slice %arg9[%dma_wait3A_407, %dma_wait3A_408] : memref<400x64xf32, #tpu.memory_space<vmem>> -> memref<80x64xf32, #tpu.memory_space<vmem>>
      %dma_wait3A_410 = tpu.memref_slice %arg7[%multiple_of3A_361] : memref<25600xi32, #tpu.memory_space<vmem>> -> memref<80xi32, #tpu.memory_space<vmem>>
      %dma_wait3A_411 = arith.constant 0 : i32
      %dma_wait3A_412 = arith.constant 0 : i32
      %dma_wait3A_413 = tpu.memref_slice %arg3[%dma_wait3A_411, %dma_wait3A_412] : memref<1000000x64xf32, #tpu.memory_space<hbm>> -> memref<1000000x64xf32, #tpu.memory_space<hbm>>
      tpu.wait_indirect_dma semaphore(%arg10 : memref<!tpu.dma_semaphore, #tpu.memory_space<semaphore_mem>>) src(%dma_wait3A_413 : memref<1000000x64xf32, #tpu.memory_space<hbm>>) dst(%dma_wait3A_409 : memref<80x64xf32, #tpu.memory_space<vmem>>)
      %dma_wait3A_414 = arith.constant 240 : i32
      %dma_wait3A_415 = arith.constant 0 : i32
      %dma_wait3A_416 = tpu.memref_slice %arg9[%dma_wait3A_414, %dma_wait3A_415] : memref<400x64xf32, #tpu.memory_space<vmem>> -> memref<80x64xf32, #tpu.memory_space<vmem>>
      %dma_wait3A_417 = tpu.memref_slice %arg7[%multiple_of3A_373] : memref<25600xi32, #tpu.memory_space<vmem>> -> memref<80xi32, #tpu.memory_space<vmem>>
      %dma_wait3A_418 = arith.constant 0 : i32
      %dma_wait3A_419 = arith.constant 0 : i32
      %dma_wait3A_420 = tpu.memref_slice %arg3[%dma_wait3A_418, %dma_wait3A_419] : memref<1000000x64xf32, #tpu.memory_space<hbm>> -> memref<1000000x64xf32, #tpu.memory_space<hbm>>
      tpu.wait_indirect_dma semaphore(%arg10 : memref<!tpu.dma_semaphore, #tpu.memory_space<semaphore_mem>>) src(%dma_wait3A_420 : memref<1000000x64xf32, #tpu.memory_space<hbm>>) dst(%dma_wait3A_416 : memref<80x64xf32, #tpu.memory_space<vmem>>)
      %dma_wait3A_421 = arith.constant 320 : i32
      %dma_wait3A_422 = arith.constant 0 : i32
      %dma_wait3A_423 = tpu.memref_slice %arg9[%dma_wait3A_421, %dma_wait3A_422] : memref<400x64xf32, #tpu.memory_space<vmem>> -> memref<80x64xf32, #tpu.memory_space<vmem>>
      %dma_wait3A_424 = tpu.memref_slice %arg7[%multiple_of3A_385] : memref<25600xi32, #tpu.memory_space<vmem>> -> memref<80xi32, #tpu.memory_space<vmem>>
      %dma_wait3A_425 = arith.constant 0 : i32
      %dma_wait3A_426 = arith.constant 0 : i32
      %dma_wait3A_427 = tpu.memref_slice %arg3[%dma_wait3A_425, %dma_wait3A_426] : memref<1000000x64xf32, #tpu.memory_space<hbm>> -> memref<1000000x64xf32, #tpu.memory_space<hbm>>
      tpu.wait_indirect_dma semaphore(%arg10 : memref<!tpu.dma_semaphore, #tpu.memory_space<semaphore_mem>>) src(%dma_wait3A_427 : memref<1000000x64xf32, #tpu.memory_space<hbm>>) dst(%dma_wait3A_423 : memref<80x64xf32, #tpu.memory_space<vmem>>)
      %parallel_loop3A_428 = arith.constant 0 : i32
      %parallel_loop3A_429 = arith.constant 200 : i32
      %parallel_loop3A_430 = arith.constant 1 : i32
      scf.for %parallel_loop3A_439 = %parallel_loop3A_428 to %parallel_loop3A_429 step %parallel_loop3A_430  : i32 {
        %parallel_loop3A_440 = arith.index_cast %parallel_loop3A_439 : i32 to index
        %parallel_loop3A_441 = arith.constant 0 : index
        %parallel_loop3A_442 = tpu.vector_load %arg6[%parallel_loop3A_440, %parallel_loop3A_441] {strides = array<i32>} : memref<200x64xf32, #tpu.memory_space<vmem>>, vector<1x16xf32>,
        %parallel_loop3A_443 = vector.shape_cast %parallel_loop3A_442 : vector<1x16xf32> to vector<16xf32>
        %parallel_loop3A_444 = arith.constant 0 : i32
        %parallel_loop3A_445 = arith.addi %parallel_loop3A_444, %parallel_loop3A_439 : i32
        %parallel_loop3A_446 = arith.index_cast %parallel_loop3A_445 : i32 to index
        %parallel_loop3A_447 = arith.constant 0 : index
        %parallel_loop3A_448 = tpu.vector_load %arg9[%parallel_loop3A_446, %parallel_loop3A_447] {strides = array<i32>} : memref<400x64xf32, #tpu.memory_space<vmem>>, vector<1x16xf32>,
        %parallel_loop3A_449 = vector.shape_cast %parallel_loop3A_448 : vector<1x16xf32> to vector<16xf32>
        %parallel_loop3A_450 = vector.shape_cast %parallel_loop3A_443 : vector<16xf32> to vector<1x16xf32>
        tpu.vector_store %arg9[%parallel_loop3A_446, %parallel_loop3A_447], %parallel_loop3A_450 {add = true, strides = array<i32>} : memref<400x64xf32, #tpu.memory_space<vmem>>, vector<1x16xf32>,
        %parallel_loop3A_451 = arith.constant 200 : i32
        %parallel_loop3A_452 = arith.addi %parallel_loop3A_451, %parallel_loop3A_439 : i32
        %parallel_loop3A_453 = arith.index_cast %parallel_loop3A_452 : i32 to index
        %parallel_loop3A_454 = arith.constant 0 : index
        %parallel_loop3A_455 = tpu.vector_load %arg9[%parallel_loop3A_453, %parallel_loop3A_454] {strides = array<i32>} : memref<400x64xf32, #tpu.memory_space<vmem>>, vector<1x16xf32>,
        %parallel_loop3A_456 = vector.shape_cast %parallel_loop3A_455 : vector<1x16xf32> to vector<16xf32>
        %parallel_loop3A_457 = vector.shape_cast %parallel_loop3A_443 : vector<16xf32> to vector<1x16xf32>
        tpu.vector_store %arg9[%parallel_loop3A_453, %parallel_loop3A_454], %parallel_loop3A_457 {add = true, strides = array<i32>} : memref<400x64xf32, #tpu.memory_space<vmem>>, vector<1x16xf32>,
        %parallel_loop3A_458 = arith.index_cast %parallel_loop3A_439 : i32 to index
        %parallel_loop3A_459 = arith.constant 16 : index
        %parallel_loop3A_460 = tpu.vector_load %arg6[%parallel_loop3A_458, %parallel_loop3A_459] {strides = array<i32>} : memref<200x64xf32, #tpu.memory_space<vmem>>, vector<1x16xf32>,
        %parallel_loop3A_461 = vector.shape_cast %parallel_loop3A_460 : vector<1x16xf32> to vector<16xf32>
        %parallel_loop3A_462 = arith.constant 0 : i32
        %parallel_loop3A_463 = arith.addi %parallel_loop3A_462, %parallel_loop3A_439 : i32
        %parallel_loop3A_464 = arith.index_cast %parallel_loop3A_463 : i32 to index
        %parallel_loop3A_465 = arith.constant 16 : index
        %parallel_loop3A_466 = tpu.vector_load %arg9[%parallel_loop3A_464, %parallel_loop3A_465] {strides = array<i32>} : memref<400x64xf32, #tpu.memory_space<vmem>>, vector<1x16xf32>,
        %parallel_loop3A_467 = vector.shape_cast %parallel_loop3A_466 : vector<1x16xf32> to vector<16xf32>
        %parallel_loop3A_468 = vector.shape_cast %parallel_loop3A_461 : vector<16xf32> to vector<1x16xf32>
        tpu.vector_store %arg9[%parallel_loop3A_464, %parallel_loop3A_465], %parallel_loop3A_468 {add = true, strides = array<i32>} : memref<400x64xf32, #tpu.memory_space<vmem>>, vector<1x16xf32>,
        %parallel_loop3A_469 = arith.constant 200 : i32
        %parallel_loop3A_470 = arith.addi %parallel_loop3A_469, %parallel_loop3A_439 : i32
        %parallel_loop3A_471 = arith.index_cast %parallel_loop3A_470 : i32 to index
        %parallel_loop3A_472 = arith.constant 16 : index
        %parallel_loop3A_473 = tpu.vector_load %arg9[%parallel_loop3A_471, %parallel_loop3A_472] {strides = array<i32>} : memref<400x64xf32, #tpu.memory_space<vmem>>, vector<1x16xf32>,
        %parallel_loop3A_474 = vector.shape_cast %parallel_loop3A_473 : vector<1x16xf32> to vector<16xf32>
        %parallel_loop3A_475 = vector.shape_cast %parallel_loop3A_461 : vector<16xf32> to vector<1x16xf32>
        tpu.vector_store %arg9[%parallel_loop3A_471, %parallel_loop3A_472], %parallel_loop3A_475 {add = true, strides = array<i32>} : memref<400x64xf32, #tpu.memory_space<vmem>>, vector<1x16xf32>,
        %parallel_loop3A_476 = arith.index_cast %parallel_loop3A_439 : i32 to index
        %parallel_loop3A_477 = arith.constant 32 : index
        %parallel_loop3A_478 = tpu.vector_load %arg6[%parallel_loop3A_476, %parallel_loop3A_477] {strides = array<i32>} : memref<200x64xf32, #tpu.memory_space<vmem>>, vector<1x16xf32>,
        %parallel_loop3A_479 = vector.shape_cast %parallel_loop3A_478 : vector<1x16xf32> to vector<16xf32>
        %parallel_loop3A_480 = arith.constant 0 : i32
        %parallel_loop3A_481 = arith.addi %parallel_loop3A_480, %parallel_loop3A_439 : i32
        %parallel_loop3A_482 = arith.index_cast %parallel_loop3A_481 : i32 to index
        %parallel_loop3A_483 = arith.constant 32 : index
        %parallel_loop3A_484 = tpu.vector_load %arg9[%parallel_loop3A_482, %parallel_loop3A_483] {strides = array<i32>} : memref<400x64xf32, #tpu.memory_space<vmem>>, vector<1x16xf32>,
        %parallel_loop3A_485 = vector.shape_cast %parallel_loop3A_484 : vector<1x16xf32> to vector<16xf32>
        %parallel_loop3A_486 = vector.shape_cast %parallel_loop3A_479 : vector<16xf32> to vector<1x16xf32>
        tpu.vector_store %arg9[%parallel_loop3A_482, %parallel_loop3A_483], %parallel_loop3A_486 {add = true, strides = array<i32>} : memref<400x64xf32, #tpu.memory_space<vmem>>, vector<1x16xf32>,
        %parallel_loop3A_487 = arith.constant 200 : i32
        %parallel_loop3A_488 = arith.addi %parallel_loop3A_487, %parallel_loop3A_439 : i32
        %parallel_loop3A_489 = arith.index_cast %parallel_loop3A_488 : i32 to index
        %parallel_loop3A_490 = arith.constant 32 : index
        %parallel_loop3A_491 = tpu.vector_load %arg9[%parallel_loop3A_489, %parallel_loop3A_490] {strides = array<i32>} : memref<400x64xf32, #tpu.memory_space<vmem>>, vector<1x16xf32>,
        %parallel_loop3A_492 = vector.shape_cast %parallel_loop3A_491 : vector<1x16xf32> to vector<16xf32>
        %parallel_loop3A_493 = vector.shape_cast %parallel_loop3A_479 : vector<16xf32> to vector<1x16xf32>
        tpu.vector_store %arg9[%parallel_loop3A_489, %parallel_loop3A_490], %parallel_loop3A_493 {add = true, strides = array<i32>} : memref<400x64xf32, #tpu.memory_space<vmem>>, vector<1x16xf32>,
        %parallel_loop3A_494 = arith.index_cast %parallel_loop3A_439 : i32 to index
        %parallel_loop3A_495 = arith.constant 48 : index
        %parallel_loop3A_496 = tpu.vector_load %arg6[%parallel_loop3A_494, %parallel_loop3A_495] {strides = array<i32>} : memref<200x64xf32, #tpu.memory_space<vmem>>, vector<1x16xf32>,
        %parallel_loop3A_497 = vector.shape_cast %parallel_loop3A_496 : vector<1x16xf32> to vector<16xf32>
        %parallel_loop3A_498 = arith.constant 0 : i32
        %parallel_loop3A_499 = arith.addi %parallel_loop3A_498, %parallel_loop3A_439 : i32
        %parallel_loop3A_500 = arith.index_cast %parallel_loop3A_499 : i32 to index
        %parallel_loop3A_501 = arith.constant 48 : index
        %parallel_loop3A_502 = tpu.vector_load %arg9[%parallel_loop3A_500, %parallel_loop3A_501] {strides = array<i32>} : memref<400x64xf32, #tpu.memory_space<vmem>>, vector<1x16xf32>,
        %parallel_loop3A_503 = vector.shape_cast %parallel_loop3A_502 : vector<1x16xf32> to vector<16xf32>
        %parallel_loop3A_504 = vector.shape_cast %parallel_loop3A_497 : vector<16xf32> to vector<1x16xf32>
        tpu.vector_store %arg9[%parallel_loop3A_500, %parallel_loop3A_501], %parallel_loop3A_504 {add = true, strides = array<i32>} : memref<400x64xf32, #tpu.memory_space<vmem>>, vector<1x16xf32>,
        %parallel_loop3A_505 = arith.constant 200 : i32
        %parallel_loop3A_506 = arith.addi %parallel_loop3A_505, %parallel_loop3A_439 : i32
        %parallel_loop3A_507 = arith.index_cast %parallel_loop3A_506 : i32 to index
        %parallel_loop3A_508 = arith.constant 48 : index
        %parallel_loop3A_509 = tpu.vector_load %arg9[%parallel_loop3A_507, %parallel_loop3A_508] {strides = array<i32>} : memref<400x64xf32, #tpu.memory_space<vmem>>, vector<1x16xf32>,
        %parallel_loop3A_510 = vector.shape_cast %parallel_loop3A_509 : vector<1x16xf32> to vector<16xf32>
        %parallel_loop3A_511 = vector.shape_cast %parallel_loop3A_497 : vector<16xf32> to vector<1x16xf32>
        tpu.vector_store %arg9[%parallel_loop3A_507, %parallel_loop3A_508], %parallel_loop3A_511 {add = true, strides = array<i32>} : memref<400x64xf32, #tpu.memory_space<vmem>>, vector<1x16xf32>,
      } {sc.loop_unroll_factor = 8 : i64, sc.parallel_access}
      %mul3A_431 = arith.constant 400 : i32
      %mul3A_432 = arith.muli %add3A_322, %mul3A_431 : i32
      %add3A_433 = arith.addi %multiple_of3A, %mul3A_432 : i32
      %multiple_of3A_434 = tpu.assume_multiple %add3A_433, 400 : i32
      %dma_start3A_435 = arith.constant 0 : i32
      %dma_start3A_436 = tpu.memref_slice %arg5[%multiple_of3A_434, %dma_start3A_435] : memref<819200x64xf32, #tpu.memory_space<hbm>> -> memref<400x64xf32, #tpu.memory_space<hbm>>
      %dma_start3A_437 = arith.constant 0 : i32
      %dma_start3A_438 = tpu.memref_slice %arg5[%multiple_of3A_434, %dma_start3A_437] : memref<819200x64xf32, #tpu.memory_space<hbm>> -> memref<400x64xf32, #tpu.memory_space<hbm>>
      tpu.enqueue_dma source(%arg9 : memref<400x64xf32, #tpu.memory_space<vmem>>) target(%dma_start3A_438 : memref<400x64xf32, #tpu.memory_space<hbm>>) target_semaphore(%arg12 : memref<!tpu.dma_semaphore, #tpu.memory_space<semaphore_mem>>)
    }
    %scan3A_184 = arith.constant 31 : i32
    %add3A_185 = arith.constant 24800 : i32
    %add3A_186 = arith.addi %multiple_of3A, %add3A_185 : i32
    %multiple_of3A_187 = tpu.assume_multiple %add3A_186, 400 : i32
    %dma_wait3A_188 = arith.constant 0 : i32
    %dma_wait3A_189 = tpu.memref_slice %arg5[%multiple_of3A_187, %dma_wait3A_188] : memref<819200x64xf32, #tpu.memory_space<hbm>> -> memref<400x64xf32, #tpu.memory_space<hbm>>
    %dma_wait3A_190 = arith.constant 0 : i32
    %dma_wait3A_191 = tpu.memref_slice %arg5[%multiple_of3A_187, %dma_wait3A_190] : memref<819200x64xf32, #tpu.memory_space<hbm>> -> memref<400x64xf32, #tpu.memory_space<hbm>>
    tpu.wait_dma2 semaphore(%arg11 : memref<!tpu.dma_semaphore, #tpu.memory_space<semaphore_mem>>) src(%arg8 : memref<400x64xf32, #tpu.memory_space<vmem>>) dst(%dma_wait3A_191 : memref<400x64xf32, #tpu.memory_space<hbm>>)
    %add3A_192 = arith.constant 25200 : i32
    %add3A_193 = arith.addi %multiple_of3A, %add3A_192 : i32
    %multiple_of3A_194 = tpu.assume_multiple %add3A_193, 400 : i32
    %dma_wait3A_195 = arith.constant 0 : i32
    %dma_wait3A_196 = tpu.memref_slice %arg5[%multiple_of3A_194, %dma_wait3A_195] : memref<819200x64xf32, #tpu.memory_space<hbm>> -> memref<400x64xf32, #tpu.memory_space<hbm>>
    %dma_wait3A_197 = arith.constant 0 : i32
    %dma_wait3A_198 = tpu.memref_slice %arg5[%multiple_of3A_194, %dma_wait3A_197] : memref<819200x64xf32, #tpu.memory_space<hbm>> -> memref<400x64xf32, #tpu.memory_space<hbm>>
    tpu.wait_dma2 semaphore(%arg12 : memref<!tpu.dma_semaphore, #tpu.memory_space<semaphore_mem>>) src(%arg9 : memref<400x64xf32, #tpu.memory_space<vmem>>) dst(%dma_wait3A_198 : memref<400x64xf32, #tpu.memory_space<hbm>>)
    return
  }
}

</mosaic_0001>

<sc_bundles>
// kernel: kernel.3.cloned.1.call-start
scs
__scs_entry_jumppad:
0x0: {  	(pc) =	sbr.rel $0x88, $3  }
0x1: {  	(tag) =	ssettag $0x0;
	lr =	simm.s32 $0x1  }
0x2: {  	[smem:$0x3F9E] =	sst lr;
	_ =	strace $0xD0000000  }
0x3: {  	_ = 	snop  }
0x4: {  	_ = 	snop  }
0x5: {  	_ = 	snop  }
0x6: {  	_ = 	snop  }
0x7: {  	_ = 	snop  }
__scs_overlays_trampoline_lowered:
0x8: {  	[smem:$0x3FAD] =	sst s0  }
0x9: {  	[smem:$0x3FAE] =	sst s1  }
0xa: {  	[smem:$0x3FAF] =	sst s2  }
0xb: {  	[smem:$0x3FB0] =	sst s3  }
0xc: {  	[smem:$0x3FB1] =	sst s4  }
0xd: {  	[smem:$0x3FB2] =	sst s5  }
0xe: {  	[smem:$0x3FB3] =	sst s6  }
0xf: {  	[smem:$0x3FB4] =	sst s7  }
0x10: {  	[smem:$0x3FB5] =	sst s8  }
0x11: {  	[smem:$0x3FB6] =	sst s9;
	s0 =	simm.s32 @!p0 $0x0  }
0x12: {  	s1 =	sld [smem:$0x3F9C];
	s0 =	simm.s32 @p0 $0x1  }
0x13: {  	[smem:$0x3FB7] =	sst s0;
	s0 =	simm.s32 @!p1 $0x0  }
0x14: {  	s2 =	sld [smem:$0x3F9B];
	s0 =	simm.s32 @p1 $0x1  }
0x15: {  	[smem:$0x3FB8] =	sst s0;
	s0 =	simm.s32 @!p2 $0x0  }
0x16: {  	s3 =	sld [smem:$0x3FDB];
	s0 =	simm.s32 @p2 $0x1  }
0x17: {  	s4 =	simm.s32 $0x1BF5;
	[smem:$0x3FBA] =	sst s0  }
0x18: {  	s0 =	sld [smem:$0x3F9D];
	_ =	swait.ge [sflag:s4], $0x0  }
0x19: {  	s7 =	sld [smem:$0x3F9E]  }
0x1a: {  	s8 =	sadd.s32 $0xFFFFE003, lr  }
0x1b: {  	s9 =	sadd.s32 $0xFFFFFEF7, lr;
	s5 =	simm.s32 $0xFFFFFFFF;
	p2 =	slt.u32 s8, $0xFFFFF086  }
0x1c: {  	p1 =	slt.u32 s9, $0xF7A;
	s5 =	simm.s32 @!p2 $0x0  }
0x1d: {  	s5 =	simm.s32 @p1 $0x1;
	p0 =	seq.s32 s7, s2  }
0x1e: {  	s7 =	smul.u32 @!p0 $0xF7A, s2;
	p2 =	seq.s32 @!p0 s5, $0x0  }
0x1f: {  	s9 =	smul.u32 $0xF7A, s1;
	s8 =	simm.s32 @!p0 $0x1BF5;
	p2 =	por !p2, p0  }
0x20: {  	[sflag:s8] =	ssyncset.s32 @!p0 $0xFFFFF086;
	s6 =	sadd.s32 @!p0 s3, s7;
	s7 =	simm.s32 @!p0 $0x108  }
0x21: {  	s3 =	sadd.s32 s3, s9;
	s6 =	sadd.s32 @!p0 $0x88, s6;
	s7 =	simm.s32 @p2 $0x1082  }
0x22: {  	[simem:s7], [sflag:s8] =	dma.local @!p0 [hbm:s6], $0xF7A  }
0x23: {  	s9 =	sor.u32 $0xD0000000, s2;
	s6 =	simm.s32 $0x108;
	_ =	swait.ge @!p0 [sflag:s8], $0x0  }
0x24: {  	s3 =	sadd.s32 $0x88, s3;
	s6 =	simm.s32 @!p1 $0x1082;
	[sflag:s4] =	ssyncset.s32 $0xFFFFF086  }
0x25: {  	[simem:s6], [sflag:s4] =	dma.local [hbm:s3], $0xF7A  }
0x26: {  	[smem:$0x3F9E] =	sst s1;
	(tag) =	ssettag s2;
	_ =	strace s9  }
0x27: {  	s1 =	sld [smem:$0x3FAE]  }
0x28: {  	s2 =	sld [smem:$0x3FAF]  }
0x29: {  	s4 =	sld [smem:$0x3FB1]  }
0x2a: {  	p0 =	seq.s32 s5, $0x0;
	s5 =	sld [smem:$0x3FB2]  }
0x2b: {  	s6 =	sld [smem:$0x3FB3]  }
0x2c: {  	s7 =	sld [smem:$0x3FB4]  }
0x2d: {  	s3 =	simm.s32 $0x108;
	s8 =	sld [smem:$0x3FB5]  }
0x2e: {  	s3 =	simm.s32 @!p0 $0x1082;
	s9 =	sld [smem:$0x3FB6]  }
0x2f: {  	lr =	sadd.s32 s0, s3;
	s0 =	sld [smem:$0x3FAD]  }
0x30: {  	s3 =	sld [smem:$0x3FB0]  }
0x31: {  	[smem:$0x3FB9] =	sst s10  }
0x32: {  	s10 =	sld [smem:$0x3FB7];
	_ =	sdelay $0x3  }
0x33: {  	p0 =	seq.s32 s10, $0x1;
	s10 =	sld [smem:$0x3FB9];
	_ =	sdelay $0x3  }
0x34: {  	[smem:$0x3FB9] =	sst s10  }
0x35: {  	s10 =	sld [smem:$0x3FB8];
	_ =	sdelay $0x3  }
0x36: {  	p1 =	seq.s32 s10, $0x1;
	s10 =	sld [smem:$0x3FB9];
	_ =	sdelay $0x3  }
0x37: {  	[smem:$0x3FB9] =	sst s10  }
0x38: {  	s10 =	sld [smem:$0x3FBA]  }
0x39: {  	_ = 	snop;
	(pc) =	sbr.ind lr, $3  }
0x3a: {  	_ = 	snop  }
0x3b: {  	_ = 	snop  }
0x3c: {  	p2 =	seq.s32 s10, $0x1;
	s10 =	sld [smem:$0x3FB9]  }
0x3d: {  	_ =	shalt  }
0x3e: {  	_ =	shalt  }
0x3f: {  	_ =	shalt  }
0x40: {  	_ =	shalt  }
0x41: {  	_ =	shalt  }
0x42: {  	_ =	shalt  }
0x43: {  	_ =	shalt  }
0x44: {  	_ =	shalt  }
0x45: {  	_ =	shalt  }
0x46: {  	_ =	shalt  }
0x47: {  	_ =	shalt  }
0x48: {  	_ =	shalt  }
0x49: {  	_ =	shalt  }
0x4a: {  	_ =	shalt  }
0x4b: {  	_ =	shalt  }
0x4c: {  	_ =	shalt  }
0x4d: {  	_ =	shalt  }
0x4e: {  	_ =	shalt  }
0x4f: {  	_ =	shalt  }
0x50: {  	_ =	shalt  }
0x51: {  	_ =	shalt  }
0x52: {  	_ =	shalt  }
0x53: {  	_ =	shalt  }
0x54: {  	_ =	shalt  }
0x55: {  	_ =	shalt  }
0x56: {  	_ =	shalt  }
0x57: {  	_ =	shalt  }
0x58: {  	_ =	shalt  }
0x59: {  	_ =	shalt  }
0x5a: {  	_ =	shalt  }
0x5b: {  	_ =	shalt  }
0x5c: {  	_ =	shalt  }
0x5d: {  	_ =	shalt  }
0x5e: {  	_ =	shalt  }
0x5f: {  	_ =	shalt  }
0x60: {  	_ =	shalt  }
0x61: {  	_ =	shalt  }
0x62: {  	_ =	shalt  }
0x63: {  	_ =	shalt  }
0x64: {  	_ =	shalt  }
0x65: {  	_ =	shalt  }
0x66: {  	_ =	shalt  }
0x67: {  	_ =	shalt  }
0x68: {  	_ =	shalt  }
0x69: {  	_ =	shalt  }
0x6a: {  	_ =	shalt  }
0x6b: {  	_ =	shalt  }
0x6c: {  	_ =	shalt  }
0x6d: {  	_ =	shalt  }
0x6e: {  	_ =	shalt  }
0x6f: {  	_ =	shalt  }
0x70: {  	_ =	shalt  }
0x71: {  	_ =	shalt  }
0x72: {  	_ =	shalt  }
0x73: {  	_ =	shalt  }
0x74: {  	_ =	shalt  }
0x75: {  	_ =	shalt  }
0x76: {  	_ =	shalt  }
0x77: {  	_ =	shalt  }
0x78: {  	_ =	shalt  }
0x79: {  	_ =	shalt  }
0x7a: {  	_ =	shalt  }
0x7b: {  	_ =	shalt  }
0x7c: {  	_ =	shalt  }
0x7d: {  	_ =	shalt  }
0x7e: {  	_ =	shalt  }
0x7f: {  	_ =	shalt  }
0x80: {  	_ =	shalt  }
0x81: {  	_ =	shalt  }
0x82: {  	_ =	shalt  }
0x83: {  	_ =	shalt  }
0x84: {  	_ =	shalt  }
0x85: {  	_ =	shalt  }
0x86: {  	_ =	shalt  }
0x87: {  	_ =	shalt  }
.Lfunc_end0:
.L_simem_size_0:
called_computation.1_lowered:
.L_overlay_start_0:
0x88: {  	s2 =	sld [smem:$0x3FD9]  }
0x89: {  	s3 =	sld [smem:$0x3FFE];
	_ =	sdelay $0x1  }
0x8a: {  	s1 =	srdreg.scid  }
0x8b: {  	s0 =	sand.u32 $0x1, s1  }
0x8c: {  	s17 =	sshll.u32 s0, $0xA;
	s2 =	sadd.s32 s3, s2  }
0x8d: {  	s2 =	sadd.s32 s2, s17  }
0x8e: {  	[smem:$0x3FC5] =	sst s2  }
0x8f: {  	_ = 	snop  }
0x90: {  	s2 =	sld [smem:$0x3FD0];
	(tm) =	ssettm $0x1  }
0x91: {  	s18 =	sld [smem:$0x3FFB];
	_ =	sdelay $0x3  }
0x92: {  	_ =	strace s18  }
0x93: {  	s3 =	sld [smem:$0x3FFC];
	_ =	sdelay $0x3  }
0x94: {  	_ =	strace s3  }
0x95: {  	s3 =	sld [smem:$0x3FFD];
	_ =	sdelay $0x3  }
0x96: {  	_ =	strace s3  }
0x97: {  	_ =	strace $0x8FFFFFFF  }
0x98: {  	s19 =	sld [smem:$0x3FDB];
	_ =	sdelay $0x1  }
0x99: {  	s4 =	simm.s32 $_scs_section_size  }
0x9a: {  	s5 =	simm.s32 $_size__tile_overlayer_lowered;
	s6 =	simm.s32 $_tile_overlayer_lowered  }
0x9b: {  	s22 =	simm.s32 $0x1BFF;
	s21 =	sshll.u32 s6, $0x1;
	s3 =	sadd.s32 s4, s19  }
0x9c: {  	s7 =	simm.s32 $0x0;
	s20 =	sshll.u32 s5, $0x1;
	s5 =	sadd.s32 s21, s3  }
0x9d: {  	[timem:s7], [sflag:s22] =	dma.local [hbm:s5], s20  }
0x9e: {  	_ =	swait.ge [sflag:s22], s20  }
0x9f: {  	s4 =	ssub.s32 $0x0, s20;
	[sflag:s22] =	ssyncset.done $0x0  }
0xa0: {  	[sflag:s22] =	ssyncadd.s32 s4;
	_ =	sdelay $0x1  }
0xa1: {  	s23 =	simm.s32 $0x1B8B  }
0xa2: {  	_ =	swait.ge [sflag:s23], $0x1  }
0xa3: {  	[sflag:s23] =	ssyncset.done $0x0  }
0xa4: {  	s25 =	simm.s32 $0x1B8E;
	s24 =	sld [smem:$0x3FFE];
	[sflag:s23] =	ssyncadd.s32 $0xFFFFFFFF  }
0xa5: {  	s26 =	simm.s32 $execute0_lowered;
	[smem:$0x3FD2] =	sst s25  }
0xa6: {  	s5 =	sshll.u32 s26, $0x1;
	_ =	strace $0x80000046;
	[dreg:$0x1] =	wrdreg $0xFFFFFFFF  }
0xa7: {  	s28 =	simm.s32 $_size_execute0_lowered;
	s3 =	sadd.s32 s3, s5;
	[dreg:$0x0] =	wrdreg $0x0  }
0xa8: {  	s5 =	sshll.u32 s28, $0x1;
	[dreg:$0x2] =	wrdreg s3  }
0xa9: {  	[dreg:$0x3] =	wrdreg s5  }
0xaa: {  	[dreg:$0x4] =	wrdreg $0xC0  }
0xab: {  	_ =	task [dreg:s7], $0x5FFFF  }
0xac: {  	[dreg:$0x1] =	wrdreg $0xFFFFFFFF  }
0xad: {  	[dreg:$0x0] =	wrdreg $0x60  }
0xae: {  	[dreg:$0x2] =	wrdreg s24  }
0xaf: {  	[dreg:$0x3] =	wrdreg s2  }
0xb0: {  	[dreg:$0x4] =	wrdreg $0x9  }
0xb1: {  	_ =	task.clear_ibuf [dreg:s7], $0x5FFFF;
	_ =	strace $0x90000046  }
0xb2: {  	s29 =	simm.s32 $0x9;
	_ =	strace $0x80000048  }
0xb3: {  	_ =	swait.ge [sflag:s29], $0x1  }
0xb4: {  	[sflag:s29] =	ssyncadd.s32 $0xFFFFFFFF  }
0xb5: {  	_ =	strace $0x90000048  }
0xb6: {  	_ =	sfence  }
0xb7: {  	s30 =	sld [smem:$0x0];
	_ =	sdelay $0x2  }
0xb8: {  	s31 =	sshll.u32 s1, $0xD;
	s1 =	sshrl.u32 s1, $0x2  }
0xb9: {  	s3 =	sand.u32 $0x4000, s31;
	s1 =	sadd.s32 s1, s30  }
0xba: {  	s0 =	sor.u32 s3, s0;
	s1 =	sshll.u32 s1, $0x11  }
0xbb: {  	s0 =	sor.u32 s1, s0  }
0xbc: {  	s0 =	sadd.s32 $0x8F2B, s0  }
0xbd: {  	[sflag:s0] =	ssyncadd.remote.s32 $0x1  }
0xbe: {  	_ =	sfence.sel $0xFFFF  }
0xbf: {  	[dreg:$0x0] =	wrdreg $0xFFFFFFFF;
	(pc) =	sbr.abs _section_cstart, $3  }
0xc0: {  	[dreg:$0x1] =	wrdreg $0xFFFFFFFF  }
0xc1: {  	_ =	task.clear_ibuf [dreg:s7], $0x2FFFF;
	_ =	strace $0x9FFFFFFF  }
0xc2: {  	(tm) =	ssettm $0x7FFFFFFF  }
0xc3: {  	_ =	shalt  }
tec
execute0_lowered:
.L_overlay_start_1:
0x0: {  	(tag) =	ssettag $0x1  }
0x1: {  	s0 =	srdreg.scid  }
0x2: {  	s2 =	stileid.u32;
	s1 =	rddreg [dreg:$0x0]  }
0x3: {  	s12 =	simm.s32 $0x4;
	s13 =	simm.s32 $0x50;
	s14 =	simm.s32 $0x9600  }
0x4: {  	s16 =	simm.s32 $0xAA00;
	s18 =	simm.s32 $0xBE00;
	s20 =	simm.s32 $0xD200  }
0x5: {  	s22 =	simm.s32 $0xE600;
	s23 =	simm.s32 $0x1;
	s25 =	simm.s32 $0xFA00  }
0x6: {  	s28 =	simm.s32 $0x10E00;
	s30 =	simm.s32 $0x12200;
	s15 =	simm.s32 $0x14A00  }
0x7: {  	s17 =	simm.s32 $0x2;
	s0 =	sand.u32 $0x1, s0;
	s3 =	sshll.u32 s2, $0x1  }
0x8: {  	s19 =	simm.s32 $0x3;
	s21 =	simm.s32 $0x0;
	s5 =	sor.u32 s0, s3  }
0x9: {  	s2 =	rddreg [dreg:$0x1];
	s3 =	simm.s32 $0x0;
	s4 =	smul.u32 $0x6400, s5  }
0xa: {  	s0 =	ssub.s32 $0x2, s0;
	[smem:$0x7FF] =	sst s3;
	s7 =	smul.u32 $0x32000, s5  }
0xb: {  	s5 =	sadd.s32 $0xF43000, s1;
	s31 =	sshrl.u32 s0, $0x1;
	_ =	strace $0x80000047  }
0xc: {  	s0 =	ssub.s32 s0, s31;
	s6 =	sshrl.u32 s4, $0x3;
	s7 =	sadd.s32 s2, s7  }
0xd: {  	s10 =	smax.u32 s0, $0x1;
	s8 =	sadd.s32 s6, s1;
	s6 =	sadd.s32 $0x19C00, s1  }
0xe: {  	s9 =	sadd.s32 $0xC80, s7;
	s1 =	simm.s32 $0x13600;
	s8 =	sadd.s32 $0xC00, s8  }
.LBB2_1:
0xf: {  	s0 =	simm.s32 $0x3200  }
0x10: {  	[tilespmem:s0], [sflag:$0x4] =	stream.linear.gather [hbm4b:s8+s3], $0x6400, $0x38;
	[tilespmem:$0x15E00] =	vst v63  }
0x11: {  	_ =	swait.ge [sflag:s12], $0x6400  }
0x12: {  	[sflag:s12] =	ssyncset.done $0x0  }
0x13: {  	[sflag:s12] =	ssyncadd.s32 $0xFFFF9C00  }
0x14: {  	[tilespmem:s3], [sflag:$0x4] =	stream.linear.gather [hbm4b:s6+s3], $0x3200, $0x38;
	[tilespmem:$0x15E00] =	vst v63  }
0x15: {  	_ =	swait.ge [sflag:s12], $0x3200  }
0x16: {  	[sflag:s12] =	ssyncset.done $0x0  }
0x17: {  	[sflag:s12] =	ssyncadd.s32 $0xFFFFCE00  }
0x18: {  	[tilespmem:s14], [sflag:$0x1] =	stream.indirect.gather [hbm4b:s5+s13], $0x40, s0, s13, $0xb8;
	[tilespmem:$0x15E00] =	vst v63  }
0x19: {  	s24 =	simm.s32 $0x3250  }
0x1a: {  	[tilespmem:s16], [sflag:$0x1] =	stream.indirect.gather [hbm4b:s5+s13], $0x40, s24, s13, $0xb8;
	[tilespmem:$0x15E00] =	vst v63  }
0x1b: {  	s26 =	simm.s32 $0x32A0  }
0x1c: {  	[tilespmem:s18], [sflag:$0x1] =	stream.indirect.gather [hbm4b:s5+s13], $0x40, s26, s13, $0xb8;
	[tilespmem:$0x15E00] =	vst v63  }
0x1d: {  	s29 =	simm.s32 $0x32F0  }
0x1e: {  	[tilespmem:s20], [sflag:$0x1] =	stream.indirect.gather [hbm4b:s5+s13], $0x40, s29, s13, $0xb8;
	[tilespmem:$0x15E00] =	vst v63  }
0x1f: {  	s31 =	simm.s32 $0x3340  }
0x20: {  	[tilespmem:s22], [sflag:$0x1] =	stream.indirect.gather [hbm4b:s5+s13], $0x40, s31, s13, $0xb8;
	[tilespmem:$0x15E00] =	vst v63  }
0x21: {  	_ =	swait.ge [sflag:s23], $0x1400  }
0x22: {  	[sflag:s23] =	ssyncset.done $0x0  }
0x23: {  	[sflag:s23] =	ssyncadd.s32 $0xFFFFEC00  }
0x24: {  	_ =	swait.ge [sflag:s23], $0x1400  }
0x25: {  	[sflag:s23] =	ssyncset.done $0x0  }
0x26: {  	[sflag:s23] =	ssyncadd.s32 $0xFFFFEC00  }
0x27: {  	_ =	swait.ge [sflag:s23], $0x1400  }
0x28: {  	[sflag:s23] =	ssyncset.done $0x0  }
0x29: {  	[sflag:s23] =	ssyncadd.s32 $0xFFFFEC00  }
0x2a: {  	_ =	swait.ge [sflag:s23], $0x1400  }
0x2b: {  	[sflag:s23] =	ssyncset.done $0x0  }
0x2c: {  	[sflag:s23] =	ssyncadd.s32 $0xFFFFEC00  }
0x2d: {  	_ =	swait.ge [sflag:s23], $0x1400  }
0x2e: {  	[sflag:s23] =	ssyncset.done $0x0  }
0x2f: {  	s24 =	simm.s32 $0x0;
	[sflag:s23] =	ssyncadd.s32 $0xFFFFEC00  }
0x30: {  	v0 =	vld [tilespmem:s24+$0x1F0]  }
0x31: {  	v1 =	vld [tilespmem:s24+$0x0]  }
0x32: {  	v2 =	vld [tilespmem:s24+$0x10]  }
0x33: {  	v3 =	vld [tilespmem:s24+$0x20]  }
0x34: {  	v4 =	vld [tilespmem:s24+$0x30]  }
0x35: {  	v5 =	vld [tilespmem:s24+$0x40]  }
0x36: {  	v6 =	vld [tilespmem:s24+$0x50]  }
0x37: {  	v7 =	vld [tilespmem:s24+$0x60]  }
0x38: {  	v8 =	vld [tilespmem:s24+$0x70]  }
0x39: {  	v9 =	vld [tilespmem:s24+$0x80]  }
0x3a: {  	v10 =	vld [tilespmem:s24+$0x90]  }
0x3b: {  	v11 =	vld [tilespmem:s24+$0xA0]  }
0x3c: {  	v12 =	vld [tilespmem:s24+$0xB0]  }
0x3d: {  	v13 =	vld [tilespmem:s24+$0xC0]  }
0x3e: {  	v14 =	vld [tilespmem:s24+$0xD0]  }
0x3f: {  	v15 =	vld [tilespmem:s24+$0xE0]  }
0x40: {  	v16 =	vld [tilespmem:s24+$0xF0]  }
0x41: {  	v17 =	vld [tilespmem:s24+$0x100]  }
0x42: {  	v18 =	vld [tilespmem:s24+$0x110]  }
0x43: {  	v19 =	vld [tilespmem:s24+$0x120]  }
0x44: {  	v20 =	vld [tilespmem:s24+$0x130]  }
0x45: {  	v21 =	vld [tilespmem:s24+$0x140]  }
0x46: {  	v22 =	vld [tilespmem:s24+$0x150]  }
0x47: {  	v23 =	vld [tilespmem:s24+$0x160]  }
0x48: {  	v24 =	vld [tilespmem:s24+$0x170]  }
0x49: {  	v25 =	vld [tilespmem:s24+$0x180]  }
0x4a: {  	v26 =	vld [tilespmem:s24+$0x190]  }
0x4b: {  	v27 =	vld [tilespmem:s24+$0x1A0]  }
0x4c: {  	v28 =	vld [tilespmem:s24+$0x1B0]  }
0x4d: {  	v29 =	vld [tilespmem:s24+$0x1C0]  }
0x4e: {  	v30 =	vld [tilespmem:s24+$0x1D0]  }
0x4f: {  	v31 =	vld [tilespmem:s24+$0x1E0]  }
0x50: {  	[tilespmem:s24+$0xC9F0] =	vst.add.f32.msk $0xffff, v0  }
0x51: {  	[tilespmem:s24+$0x9600] =	vst.add.f32.msk $0xffff, v1  }
0x52: {  	[tilespmem:s24+$0xC800] =	vst.add.f32.msk $0xffff, v1  }
0x53: {  	[tilespmem:s24+$0x9610] =	vst.add.f32.msk $0xffff, v2  }
0x54: {  	[tilespmem:s24+$0xC810] =	vst.add.f32.msk $0xffff, v2  }
0x55: {  	[tilespmem:s24+$0x9620] =	vst.add.f32.msk $0xffff, v3  }
0x56: {  	[tilespmem:s24+$0xC820] =	vst.add.f32.msk $0xffff, v3  }
0x57: {  	[tilespmem:s24+$0x9630] =	vst.add.f32.msk $0xffff, v4  }
0x58: {  	[tilespmem:s24+$0xC830] =	vst.add.f32.msk $0xffff, v4  }
0x59: {  	[tilespmem:s24+$0x9640] =	vst.add.f32.msk $0xffff, v5  }
0x5a: {  	[tilespmem:s24+$0xC840] =	vst.add.f32.msk $0xffff, v5  }
0x5b: {  	[tilespmem:s24+$0x9650] =	vst.add.f32.msk $0xffff, v6  }
0x5c: {  	[tilespmem:s24+$0xC850] =	vst.add.f32.msk $0xffff, v6  }
0x5d: {  	[tilespmem:s24+$0x9660] =	vst.add.f32.msk $0xffff, v7  }
0x5e: {  	[tilespmem:s24+$0xC860] =	vst.add.f32.msk $0xffff, v7  }
0x5f: {  	[tilespmem:s24+$0x9670] =	vst.add.f32.msk $0xffff, v8  }
0x60: {  	[tilespmem:s24+$0xC870] =	vst.add.f32.msk $0xffff, v8  }
0x61: {  	[tilespmem:s24+$0x9680] =	vst.add.f32.msk $0xffff, v9  }
0x62: {  	[tilespmem:s24+$0xC880] =	vst.add.f32.msk $0xffff, v9  }
0x63: {  	[tilespmem:s24+$0x9690] =	vst.add.f32.msk $0xffff, v10  }
0x64: {  	[tilespmem:s24+$0xC890] =	vst.add.f32.msk $0xffff, v10  }
0x65: {  	[tilespmem:s24+$0x96A0] =	vst.add.f32.msk $0xffff, v11  }
0x66: {  	[tilespmem:s24+$0xC8A0] =	vst.add.f32.msk $0xffff, v11  }
0x67: {  	[tilespmem:s24+$0x96B0] =	vst.add.f32.msk $0xffff, v12  }
0x68: {  	[tilespmem:s24+$0xC8B0] =	vst.add.f32.msk $0xffff, v12  }
0x69: {  	[tilespmem:s24+$0x96C0] =	vst.add.f32.msk $0xffff, v13  }
0x6a: {  	[tilespmem:s24+$0xC8C0] =	vst.add.f32.msk $0xffff, v13  }
0x6b: {  	[tilespmem:s24+$0x96D0] =	vst.add.f32.msk $0xffff, v14  }
0x6c: {  	[tilespmem:s24+$0xC8D0] =	vst.add.f32.msk $0xffff, v14  }
0x6d: {  	[tilespmem:s24+$0x96E0] =	vst.add.f32.msk $0xffff, v15  }
0x6e: {  	[tilespmem:s24+$0xC8E0] =	vst.add.f32.msk $0xffff, v15  }
0x6f: {  	[tilespmem:s24+$0x96F0] =	vst.add.f32.msk $0xffff, v16  }
0x70: {  	[tilespmem:s24+$0xC8F0] =	vst.add.f32.msk $0xffff, v16  }
0x71: {  	[tilespmem:s24+$0x9700] =	vst.add.f32.msk $0xffff, v17  }
0x72: {  	[tilespmem:s24+$0xC900] =	vst.add.f32.msk $0xffff, v17  }
0x73: {  	[tilespmem:s24+$0x9710] =	vst.add.f32.msk $0xffff, v18  }
0x74: {  	[tilespmem:s24+$0xC910] =	vst.add.f32.msk $0xffff, v18  }
0x75: {  	[tilespmem:s24+$0x9720] =	vst.add.f32.msk $0xffff, v19  }
0x76: {  	[tilespmem:s24+$0xC920] =	vst.add.f32.msk $0xffff, v19  }
0x77: {  	[tilespmem:s24+$0x9730] =	vst.add.f32.msk $0xffff, v20  }
0x78: {  	[tilespmem:s24+$0xC930] =	vst.add.f32.msk $0xffff, v20  }
0x79: {  	[tilespmem:s24+$0x9740] =	vst.add.f32.msk $0xffff, v21  }
0x7a: {  	[tilespmem:s24+$0xC940] =	vst.add.f32.msk $0xffff, v21  }
0x7b: {  	[tilespmem:s24+$0x9750] =	vst.add.f32.msk $0xffff, v22  }
0x7c: {  	[tilespmem:s24+$0xC950] =	vst.add.f32.msk $0xffff, v22  }
0x7d: {  	[tilespmem:s24+$0x9760] =	vst.add.f32.msk $0xffff, v23  }
0x7e: {  	[tilespmem:s24+$0xC960] =	vst.add.f32.msk $0xffff, v23  }
0x7f: {  	[tilespmem:s24+$0x9770] =	vst.add.f32.msk $0xffff, v24  }
0x80: {  	[tilespmem:s24+$0xC970] =	vst.add.f32.msk $0xffff, v24  }
0x81: {  	[tilespmem:s24+$0x9780] =	vst.add.f32.msk $0xffff, v25  }
0x82: {  	[tilespmem:s24+$0xC980] =	vst.add.f32.msk $0xffff, v25  }
0x83: {  	[tilespmem:s24+$0x9790] =	vst.add.f32.msk $0xffff, v26  }
0x84: {  	[tilespmem:s24+$0xC990] =	vst.add.f32.msk $0xffff, v26  }
0x85: {  	[tilespmem:s24+$0x97A0] =	vst.add.f32.msk $0xffff, v27  }
0x86: {  	[tilespmem:s24+$0xC9A0] =	vst.add.f32.msk $0xffff, v27  }
0x87: {  	[tilespmem:s24+$0x97B0] =	vst.add.f32.msk $0xffff, v28  }
0x88: {  	[tilespmem:s24+$0xC9B0] =	vst.add.f32.msk $0xffff, v28  }
0x89: {  	[tilespmem:s24+$0x97C0] =	vst.add.f32.msk $0xffff, v29  }
0x8a: {  	[tilespmem:s24+$0xC9C0] =	vst.add.f32.msk $0xffff, v29  }
0x8b: {  	[tilespmem:s24+$0x97D0] =	vst.add.f32.msk $0xffff, v30  }
0x8c: {  	[tilespmem:s24+$0xC9D0] =	vst.add.f32.msk $0xffff, v30  }
0x8d: {  	[tilespmem:s24+$0x97E0] =	vst.add.f32.msk $0xffff, v31  }
0x8e: {  	s0 =	simm.s32 $0x800;
	s26 =	simm.s32 $0x0;
	[tilespmem:s24+$0xC9E0] =	vst.add.f32.msk $0xffff, v31  }
.LBB2_2:
0x8f: {  	s26 =	sadd.s32 $0x8, s26;
	[tilespmem:s24+$0x97F0] =	vst.add.f32.msk $0xffff, v0;
	s24 =	sshra.s32 s0, $0x2  }
0x90: {  	v0 =	vld [tilespmem:s24+$0x1F0];
	p0 =	slt.u32 s26, $0xC0  }
0x91: {  	v1 =	vld [tilespmem:s24+$0x0]  }
0x92: {  	v2 =	vld [tilespmem:s24+$0x10]  }
0x93: {  	v3 =	vld [tilespmem:s24+$0x20]  }
0x94: {  	v4 =	vld [tilespmem:s24+$0x30]  }
0x95: {  	[tilespmem:s24+$0xC9F0] =	vst.add.f32.msk $0xffff, v0  }
0x96: {  	v5 =	vld [tilespmem:s24+$0x40]  }
0x97: {  	v6 =	vld [tilespmem:s24+$0x50]  }
0x98: {  	v7 =	vld [tilespmem:s24+$0x60]  }
0x99: {  	v8 =	vld [tilespmem:s24+$0x70]  }
0x9a: {  	v9 =	vld [tilespmem:s24+$0x80]  }
0x9b: {  	v10 =	vld [tilespmem:s24+$0x90]  }
0x9c: {  	v11 =	vld [tilespmem:s24+$0xA0]  }
0x9d: {  	v12 =	vld [tilespmem:s24+$0xB0]  }
0x9e: {  	v13 =	vld [tilespmem:s24+$0xC0]  }
0x9f: {  	v14 =	vld [tilespmem:s24+$0xD0]  }
0xa0: {  	v15 =	vld [tilespmem:s24+$0xE0]  }
0xa1: {  	v16 =	vld [tilespmem:s24+$0xF0]  }
0xa2: {  	v17 =	vld [tilespmem:s24+$0x100]  }
0xa3: {  	v18 =	vld [tilespmem:s24+$0x110]  }
0xa4: {  	v19 =	vld [tilespmem:s24+$0x120]  }
0xa5: {  	v20 =	vld [tilespmem:s24+$0x130]  }
0xa6: {  	v21 =	vld [tilespmem:s24+$0x140]  }
0xa7: {  	v22 =	vld [tilespmem:s24+$0x150]  }
0xa8: {  	v23 =	vld [tilespmem:s24+$0x160]  }
0xa9: {  	v24 =	vld [tilespmem:s24+$0x170]  }
0xaa: {  	v25 =	vld [tilespmem:s24+$0x180]  }
0xab: {  	v26 =	vld [tilespmem:s24+$0x190]  }
0xac: {  	v27 =	vld [tilespmem:s24+$0x1A0]  }
0xad: {  	v28 =	vld [tilespmem:s24+$0x1B0]  }
0xae: {  	v29 =	vld [tilespmem:s24+$0x1C0]  }
0xaf: {  	v30 =	vld [tilespmem:s24+$0x1D0]  }
0xb0: {  	v31 =	vld [tilespmem:s24+$0x1E0]  }
0xb1: {  	[tilespmem:s24+$0x9600] =	vst.add.f32.msk $0xffff, v1  }
0xb2: {  	[tilespmem:s24+$0xC800] =	vst.add.f32.msk $0xffff, v1  }
0xb3: {  	[tilespmem:s24+$0x9610] =	vst.add.f32.msk $0xffff, v2  }
0xb4: {  	[tilespmem:s24+$0xC810] =	vst.add.f32.msk $0xffff, v2  }
0xb5: {  	[tilespmem:s24+$0x9620] =	vst.add.f32.msk $0xffff, v3  }
0xb6: {  	[tilespmem:s24+$0xC820] =	vst.add.f32.msk $0xffff, v3  }
0xb7: {  	[tilespmem:s24+$0x9630] =	vst.add.f32.msk $0xffff, v4  }
0xb8: {  	[tilespmem:s24+$0xC830] =	vst.add.f32.msk $0xffff, v4  }
0xb9: {  	[tilespmem:s24+$0x9640] =	vst.add.f32.msk $0xffff, v5  }
0xba: {  	[tilespmem:s24+$0xC840] =	vst.add.f32.msk $0xffff, v5  }
0xbb: {  	[tilespmem:s24+$0x9650] =	vst.add.f32.msk $0xffff, v6  }
0xbc: {  	[tilespmem:s24+$0xC850] =	vst.add.f32.msk $0xffff, v6  }
0xbd: {  	[tilespmem:s24+$0x9660] =	vst.add.f32.msk $0xffff, v7  }
0xbe: {  	[tilespmem:s24+$0xC860] =	vst.add.f32.msk $0xffff, v7  }
0xbf: {  	[tilespmem:s24+$0x9670] =	vst.add.f32.msk $0xffff, v8  }
0xc0: {  	[tilespmem:s24+$0xC870] =	vst.add.f32.msk $0xffff, v8  }
0xc1: {  	[tilespmem:s24+$0x9680] =	vst.add.f32.msk $0xffff, v9  }
0xc2: {  	[tilespmem:s24+$0xC880] =	vst.add.f32.msk $0xffff, v9  }
0xc3: {  	[tilespmem:s24+$0x9690] =	vst.add.f32.msk $0xffff, v10  }
0xc4: {  	[tilespmem:s24+$0xC890] =	vst.add.f32.msk $0xffff, v10  }
0xc5: {  	[tilespmem:s24+$0x96A0] =	vst.add.f32.msk $0xffff, v11  }
0xc6: {  	[tilespmem:s24+$0xC8A0] =	vst.add.f32.msk $0xffff, v11  }
0xc7: {  	[tilespmem:s24+$0x96B0] =	vst.add.f32.msk $0xffff, v12  }
0xc8: {  	[tilespmem:s24+$0xC8B0] =	vst.add.f32.msk $0xffff, v12  }
0xc9: {  	[tilespmem:s24+$0x96C0] =	vst.add.f32.msk $0xffff, v13  }
0xca: {  	[tilespmem:s24+$0xC8C0] =	vst.add.f32.msk $0xffff, v13  }
0xcb: {  	[tilespmem:s24+$0x96D0] =	vst.add.f32.msk $0xffff, v14  }
0xcc: {  	[tilespmem:s24+$0xC8D0] =	vst.add.f32.msk $0xffff, v14  }
0xcd: {  	[tilespmem:s24+$0x96E0] =	vst.add.f32.msk $0xffff, v15  }
0xce: {  	[tilespmem:s24+$0xC8E0] =	vst.add.f32.msk $0xffff, v15  }
0xcf: {  	[tilespmem:s24+$0x96F0] =	vst.add.f32.msk $0xffff, v16  }
0xd0: {  	[tilespmem:s24+$0xC8F0] =	vst.add.f32.msk $0xffff, v16  }
0xd1: {  	[tilespmem:s24+$0x9700] =	vst.add.f32.msk $0xffff, v17  }
0xd2: {  	[tilespmem:s24+$0xC900] =	vst.add.f32.msk $0xffff, v17  }
0xd3: {  	[tilespmem:s24+$0x9710] =	vst.add.f32.msk $0xffff, v18  }
0xd4: {  	[tilespmem:s24+$0xC910] =	vst.add.f32.msk $0xffff, v18  }
0xd5: {  	[tilespmem:s24+$0x9720] =	vst.add.f32.msk $0xffff, v19  }
0xd6: {  	[tilespmem:s24+$0xC920] =	vst.add.f32.msk $0xffff, v19  }
0xd7: {  	[tilespmem:s24+$0x9730] =	vst.add.f32.msk $0xffff, v20  }
0xd8: {  	[tilespmem:s24+$0xC930] =	vst.add.f32.msk $0xffff, v20  }
0xd9: {  	[tilespmem:s24+$0x9740] =	vst.add.f32.msk $0xffff, v21  }
0xda: {  	[tilespmem:s24+$0xC940] =	vst.add.f32.msk $0xffff, v21  }
0xdb: {  	[tilespmem:s24+$0x9750] =	vst.add.f32.msk $0xffff, v22  }
0xdc: {  	[tilespmem:s24+$0xC950] =	vst.add.f32.msk $0xffff, v22  }
0xdd: {  	[tilespmem:s24+$0x9760] =	vst.add.f32.msk $0xffff, v23  }
0xde: {  	[tilespmem:s24+$0xC960] =	vst.add.f32.msk $0xffff, v23  }
0xdf: {  	[tilespmem:s24+$0x9770] =	vst.add.f32.msk $0xffff, v24  }
0xe0: {  	[tilespmem:s24+$0xC970] =	vst.add.f32.msk $0xffff, v24  }
0xe1: {  	[tilespmem:s24+$0x9780] =	vst.add.f32.msk $0xffff, v25  }
0xe2: {  	[tilespmem:s24+$0xC980] =	vst.add.f32.msk $0xffff, v25  }
0xe3: {  	[tilespmem:s24+$0x9790] =	vst.add.f32.msk $0xffff, v26  }
0xe4: {  	[tilespmem:s24+$0xC990] =	vst.add.f32.msk $0xffff, v26  }
0xe5: {  	[tilespmem:s24+$0x97A0] =	vst.add.f32.msk $0xffff, v27  }
0xe6: {  	[tilespmem:s24+$0xC9A0] =	vst.add.f32.msk $0xffff, v27  }
0xe7: {  	[tilespmem:s24+$0x97B0] =	vst.add.f32.msk $0xffff, v28  }
0xe8: {  	[tilespmem:s24+$0xC9B0] =	vst.add.f32.msk $0xffff, v28  }
0xe9: {  	[tilespmem:s24+$0x97C0] =	vst.add.f32.msk $0xffff, v29  }
.Ltmp0:
0xea: {  	[tilespmem:s24+$0xC9C0] =	vst.add.f32.msk $0xffff, v29;
	(pc) =	sbr.rel @p0 .LBB2_2-.Ltmp0, $4  }
0xeb: {  	[tilespmem:s24+$0x97D0] =	vst.add.f32.msk $0xffff, v30  }
0xec: {  	[tilespmem:s24+$0xC9D0] =	vst.add.f32.msk $0xffff, v30  }
0xed: {  	[tilespmem:s24+$0x97E0] =	vst.add.f32.msk $0xffff, v31  }
0xee: {  	s0 =	sadd.s32 $0x800, s0;
	[tilespmem:s24+$0xC9E0] =	vst.add.f32.msk $0xffff, v31  }
0xef: {  	[tilespmem:s24+$0x97F0] =	vst.add.f32.msk $0xffff, v0;
	s0 =	simm.s32 $0x0  }
0xf0: {  	[hbm4b:s7+s0] =	stream.linear.scatter [tilespmem:s14], [sflag:$0x2], $0x6400, $0x38;
	[tilespmem:$0x15E00] =	vst v63  }
0xf1: {  	s11 =	simm.s32 $0x3390  }
0xf2: {  	[tilespmem:s25], [sflag:$0x1] =	stream.indirect.gather [hbm4b:s5+s13], $0x40, s11, s13, $0xb8;
	[tilespmem:$0x15E00] =	vst v63  }
0xf3: {  	s24 =	simm.s32 $0x33E0  }
0xf4: {  	[tilespmem:s28], [sflag:$0x1] =	stream.indirect.gather [hbm4b:s5+s13], $0x40, s24, s13, $0xb8;
	[tilespmem:$0x15E00] =	vst v63  }
0xf5: {  	s26 =	simm.s32 $0x3430  }
0xf6: {  	[tilespmem:s30], [sflag:$0x1] =	stream.indirect.gather [hbm4b:s5+s13], $0x40, s26, s13, $0xb8;
	[tilespmem:$0x15E00] =	vst v63  }
0xf7: {  	s29 =	simm.s32 $0x3480  }
0xf8: {  	[tilespmem:s1], [sflag:$0x1] =	stream.indirect.gather [hbm4b:s5+s13], $0x40, s29, s13, $0xb8;
	[tilespmem:$0x15E00] =	vst v63  }
0xf9: {  	s31 =	simm.s32 $0x34D0  }
0xfa: {  	[tilespmem:s15], [sflag:$0x1] =	stream.indirect.gather [hbm4b:s5+s13], $0x40, s31, s13, $0xb8;
	[tilespmem:$0x15E00] =	vst v63  }
0xfb: {  	_ =	swait.ge [sflag:s23], $0x1400  }
0xfc: {  	[sflag:s23] =	ssyncset.done $0x0  }
0xfd: {  	[sflag:s23] =	ssyncadd.s32 $0xFFFFEC00  }
0xfe: {  	_ =	swait.ge [sflag:s23], $0x1400  }
0xff: {  	[sflag:s23] =	ssyncset.done $0x0  }
0x100: {  	[sflag:s23] =	ssyncadd.s32 $0xFFFFEC00  }
0x101: {  	_ =	swait.ge [sflag:s23], $0x1400  }
0x102: {  	[sflag:s23] =	ssyncset.done $0x0  }
0x103: {  	[sflag:s23] =	ssyncadd.s32 $0xFFFFEC00  }
0x104: {  	_ =	swait.ge [sflag:s23], $0x1400  }
0x105: {  	[sflag:s23] =	ssyncset.done $0x0  }
0x106: {  	[sflag:s23] =	ssyncadd.s32 $0xFFFFEC00  }
0x107: {  	_ =	swait.ge [sflag:s23], $0x1400  }
0x108: {  	[sflag:s23] =	ssyncset.done $0x0  }
0x109: {  	s24 =	simm.s32 $0x0;
	[sflag:s23] =	ssyncadd.s32 $0xFFFFEC00  }
0x10a: {  	v0 =	vld [tilespmem:s24+$0x1F0]  }
0x10b: {  	v1 =	vld [tilespmem:s24+$0x0]  }
0x10c: {  	v2 =	vld [tilespmem:s24+$0x10]  }
0x10d: {  	v3 =	vld [tilespmem:s24+$0x20]  }
0x10e: {  	v4 =	vld [tilespmem:s24+$0x30]  }
0x10f: {  	v5 =	vld [tilespmem:s24+$0x40]  }
0x110: {  	v6 =	vld [tilespmem:s24+$0x50]  }
0x111: {  	v7 =	vld [tilespmem:s24+$0x60]  }
0x112: {  	v8 =	vld [tilespmem:s24+$0x70]  }
0x113: {  	v9 =	vld [tilespmem:s24+$0x80]  }
0x114: {  	v10 =	vld [tilespmem:s24+$0x90]  }
0x115: {  	v11 =	vld [tilespmem:s24+$0xA0]  }
0x116: {  	v12 =	vld [tilespmem:s24+$0xB0]  }
0x117: {  	v13 =	vld [tilespmem:s24+$0xC0]  }
0x118: {  	v14 =	vld [tilespmem:s24+$0xD0]  }
0x119: {  	v15 =	vld [tilespmem:s24+$0xE0]  }
0x11a: {  	v16 =	vld [tilespmem:s24+$0xF0]  }
0x11b: {  	v17 =	vld [tilespmem:s24+$0x100]  }
0x11c: {  	v18 =	vld [tilespmem:s24+$0x110]  }
0x11d: {  	v19 =	vld [tilespmem:s24+$0x120]  }
0x11e: {  	v20 =	vld [tilespmem:s24+$0x130]  }
0x11f: {  	v21 =	vld [tilespmem:s24+$0x140]  }
0x120: {  	v22 =	vld [tilespmem:s24+$0x150]  }
0x121: {  	v23 =	vld [tilespmem:s24+$0x160]  }
0x122: {  	v24 =	vld [tilespmem:s24+$0x170]  }
0x123: {  	v25 =	vld [tilespmem:s24+$0x180]  }
0x124: {  	v26 =	vld [tilespmem:s24+$0x190]  }
0x125: {  	v27 =	vld [tilespmem:s24+$0x1A0]  }
0x126: {  	v28 =	vld [tilespmem:s24+$0x1B0]  }
0x127: {  	v29 =	vld [tilespmem:s24+$0x1C0]  }
0x128: {  	v30 =	vld [tilespmem:s24+$0x1D0]  }
0x129: {  	v31 =	vld [tilespmem:s24+$0x1E0]  }
0x12a: {  	[tilespmem:s24+$0x12DF0] =	vst.add.f32.msk $0xffff, v0  }
0x12b: {  	[tilespmem:s24+$0xFA00] =	vst.add.f32.msk $0xffff, v1  }
0x12c: {  	[tilespmem:s24+$0x12C00] =	vst.add.f32.msk $0xffff, v1  }
0x12d: {  	[tilespmem:s24+$0xFA10] =	vst.add.f32.msk $0xffff, v2  }
0x12e: {  	[tilespmem:s24+$0x12C10] =	vst.add.f32.msk $0xffff, v2  }
0x12f: {  	[tilespmem:s24+$0xFA20] =	vst.add.f32.msk $0xffff, v3  }
0x130: {  	[tilespmem:s24+$0x12C20] =	vst.add.f32.msk $0xffff, v3  }
0x131: {  	[tilespmem:s24+$0xFA30] =	vst.add.f32.msk $0xffff, v4  }
0x132: {  	[tilespmem:s24+$0x12C30] =	vst.add.f32.msk $0xffff, v4  }
0x133: {  	[tilespmem:s24+$0xFA40] =	vst.add.f32.msk $0xffff, v5  }
0x134: {  	[tilespmem:s24+$0x12C40] =	vst.add.f32.msk $0xffff, v5  }
0x135: {  	[tilespmem:s24+$0xFA50] =	vst.add.f32.msk $0xffff, v6  }
0x136: {  	[tilespmem:s24+$0x12C50] =	vst.add.f32.msk $0xffff, v6  }
0x137: {  	[tilespmem:s24+$0xFA60] =	vst.add.f32.msk $0xffff, v7  }
0x138: {  	[tilespmem:s24+$0x12C60] =	vst.add.f32.msk $0xffff, v7  }
0x139: {  	[tilespmem:s24+$0xFA70] =	vst.add.f32.msk $0xffff, v8  }
0x13a: {  	[tilespmem:s24+$0x12C70] =	vst.add.f32.msk $0xffff, v8  }
0x13b: {  	[tilespmem:s24+$0xFA80] =	vst.add.f32.msk $0xffff, v9  }
0x13c: {  	[tilespmem:s24+$0x12C80] =	vst.add.f32.msk $0xffff, v9  }
0x13d: {  	[tilespmem:s24+$0xFA90] =	vst.add.f32.msk $0xffff, v10  }
0x13e: {  	[tilespmem:s24+$0x12C90] =	vst.add.f32.msk $0xffff, v10  }
0x13f: {  	[tilespmem:s24+$0xFAA0] =	vst.add.f32.msk $0xffff, v11  }
0x140: {  	[tilespmem:s24+$0x12CA0] =	vst.add.f32.msk $0xffff, v11  }
0x141: {  	[tilespmem:s24+$0xFAB0] =	vst.add.f32.msk $0xffff, v12  }
0x142: {  	[tilespmem:s24+$0x12CB0] =	vst.add.f32.msk $0xffff, v12  }
0x143: {  	[tilespmem:s24+$0xFAC0] =	vst.add.f32.msk $0xffff, v13  }
0x144: {  	[tilespmem:s24+$0x12CC0] =	vst.add.f32.msk $0xffff, v13  }
0x145: {  	[tilespmem:s24+$0xFAD0] =	vst.add.f32.msk $0xffff, v14  }
0x146: {  	[tilespmem:s24+$0x12CD0] =	vst.add.f32.msk $0xffff, v14  }
0x147: {  	[tilespmem:s24+$0xFAE0] =	vst.add.f32.msk $0xffff, v15  }
0x148: {  	[tilespmem:s24+$0x12CE0] =	vst.add.f32.msk $0xffff, v15  }
0x149: {  	[tilespmem:s24+$0xFAF0] =	vst.add.f32.msk $0xffff, v16  }
0x14a: {  	[tilespmem:s24+$0x12CF0] =	vst.add.f32.msk $0xffff, v16  }
0x14b: {  	[tilespmem:s24+$0xFB00] =	vst.add.f32.msk $0xffff, v17  }
0x14c: {  	[tilespmem:s24+$0x12D00] =	vst.add.f32.msk $0xffff, v17  }
0x14d: {  	[tilespmem:s24+$0xFB10] =	vst.add.f32.msk $0xffff, v18  }
0x14e: {  	[tilespmem:s24+$0x12D10] =	vst.add.f32.msk $0xffff, v18  }
0x14f: {  	[tilespmem:s24+$0xFB20] =	vst.add.f32.msk $0xffff, v19  }
0x150: {  	[tilespmem:s24+$0x12D20] =	vst.add.f32.msk $0xffff, v19  }
0x151: {  	[tilespmem:s24+$0xFB30] =	vst.add.f32.msk $0xffff, v20  }
0x152: {  	[tilespmem:s24+$0x12D30] =	vst.add.f32.msk $0xffff, v20  }
0x153: {  	[tilespmem:s24+$0xFB40] =	vst.add.f32.msk $0xffff, v21  }
0x154: {  	[tilespmem:s24+$0x12D40] =	vst.add.f32.msk $0xffff, v21  }
0x155: {  	[tilespmem:s24+$0xFB50] =	vst.add.f32.msk $0xffff, v22  }
0x156: {  	[tilespmem:s24+$0x12D50] =	vst.add.f32.msk $0xffff, v22  }
0x157: {  	[tilespmem:s24+$0xFB60] =	vst.add.f32.msk $0xffff, v23  }
0x158: {  	[tilespmem:s24+$0x12D60] =	vst.add.f32.msk $0xffff, v23  }
0x159: {  	[tilespmem:s24+$0xFB70] =	vst.add.f32.msk $0xffff, v24  }
0x15a: {  	[tilespmem:s24+$0x12D70] =	vst.add.f32.msk $0xffff, v24  }
0x15b: {  	[tilespmem:s24+$0xFB80] =	vst.add.f32.msk $0xffff, v25  }
0x15c: {  	[tilespmem:s24+$0x12D80] =	vst.add.f32.msk $0xffff, v25  }
0x15d: {  	[tilespmem:s24+$0xFB90] =	vst.add.f32.msk $0xffff, v26  }
0x15e: {  	[tilespmem:s24+$0x12D90] =	vst.add.f32.msk $0xffff, v26  }
0x15f: {  	[tilespmem:s24+$0xFBA0] =	vst.add.f32.msk $0xffff, v27  }
0x160: {  	[tilespmem:s24+$0x12DA0] =	vst.add.f32.msk $0xffff, v27  }
0x161: {  	[tilespmem:s24+$0xFBB0] =	vst.add.f32.msk $0xffff, v28  }
0x162: {  	[tilespmem:s24+$0x12DB0] =	vst.add.f32.msk $0xffff, v28  }
0x163: {  	[tilespmem:s24+$0xFBC0] =	vst.add.f32.msk $0xffff, v29  }
0x164: {  	[tilespmem:s24+$0x12DC0] =	vst.add.f32.msk $0xffff, v29  }
0x165: {  	[tilespmem:s24+$0xFBD0] =	vst.add.f32.msk $0xffff, v30  }
0x166: {  	[tilespmem:s24+$0x12DD0] =	vst.add.f32.msk $0xffff, v30  }
0x167: {  	[tilespmem:s24+$0xFBE0] =	vst.add.f32.msk $0xffff, v31  }
0x168: {  	s0 =	simm.s32 $0x800;
	s26 =	simm.s32 $0x0;
	[tilespmem:s24+$0x12DE0] =	vst.add.f32.msk $0xffff, v31  }
.LBB2_4:
0x169: {  	s26 =	sadd.s32 $0x8, s26;
	[tilespmem:s24+$0xFBF0] =	vst.add.f32.msk $0xffff, v0;
	s24 =	sshra.s32 s0, $0x2  }
0x16a: {  	v0 =	vld [tilespmem:s24+$0x1F0];
	p0 =	slt.u32 s26, $0xC0  }
0x16b: {  	v1 =	vld [tilespmem:s24+$0x0]  }
0x16c: {  	v2 =	vld [tilespmem:s24+$0x10]  }
0x16d: {  	v3 =	vld [tilespmem:s24+$0x20]  }
0x16e: {  	v4 =	vld [tilespmem:s24+$0x30]  }
0x16f: {  	[tilespmem:s24+$0x12DF0] =	vst.add.f32.msk $0xffff, v0  }
0x170: {  	v5 =	vld [tilespmem:s24+$0x40]  }
0x171: {  	v6 =	vld [tilespmem:s24+$0x50]  }
0x172: {  	v7 =	vld [tilespmem:s24+$0x60]  }
0x173: {  	v8 =	vld [tilespmem:s24+$0x70]  }
0x174: {  	v9 =	vld [tilespmem:s24+$0x80]  }
0x175: {  	v10 =	vld [tilespmem:s24+$0x90]  }
0x176: {  	v11 =	vld [tilespmem:s24+$0xA0]  }
0x177: {  	v12 =	vld [tilespmem:s24+$0xB0]  }
0x178: {  	v13 =	vld [tilespmem:s24+$0xC0]  }
0x179: {  	v14 =	vld [tilespmem:s24+$0xD0]  }
0x17a: {  	v15 =	vld [tilespmem:s24+$0xE0]  }
0x17b: {  	v16 =	vld [tilespmem:s24+$0xF0]  }
0x17c: {  	v17 =	vld [tilespmem:s24+$0x100]  }
0x17d: {  	v18 =	vld [tilespmem:s24+$0x110]  }
0x17e: {  	v19 =	vld [tilespmem:s24+$0x120]  }
0x17f: {  	v20 =	vld [tilespmem:s24+$0x130]  }
0x180: {  	v21 =	vld [tilespmem:s24+$0x140]  }
0x181: {  	v22 =	vld [tilespmem:s24+$0x150]  }
0x182: {  	v23 =	vld [tilespmem:s24+$0x160]  }
0x183: {  	v24 =	vld [tilespmem:s24+$0x170]  }
0x184: {  	v25 =	vld [tilespmem:s24+$0x180]  }
0x185: {  	v26 =	vld [tilespmem:s24+$0x190]  }
0x186: {  	v27 =	vld [tilespmem:s24+$0x1A0]  }
0x187: {  	v28 =	vld [tilespmem:s24+$0x1B0]  }
0x188: {  	v29 =	vld [tilespmem:s24+$0x1C0]  }
0x189: {  	v30 =	vld [tilespmem:s24+$0x1D0]  }
0x18a: {  	v31 =	vld [tilespmem:s24+$0x1E0]  }
0x18b: {  	[tilespmem:s24+$0xFA00] =	vst.add.f32.msk $0xffff, v1  }
0x18c: {  	[tilespmem:s24+$0x12C00] =	vst.add.f32.msk $0xffff, v1  }
0x18d: {  	[tilespmem:s24+$0xFA10] =	vst.add.f32.msk $0xffff, v2  }
0x18e: {  	[tilespmem:s24+$0x12C10] =	vst.add.f32.msk $0xffff, v2  }
0x18f: {  	[tilespmem:s24+$0xFA20] =	vst.add.f32.msk $0xffff, v3  }
0x190: {  	[tilespmem:s24+$0x12C20] =	vst.add.f32.msk $0xffff, v3  }
0x191: {  	[tilespmem:s24+$0xFA30] =	vst.add.f32.msk $0xffff, v4  }
0x192: {  	[tilespmem:s24+$0x12C30] =	vst.add.f32.msk $0xffff, v4  }
0x193: {  	[tilespmem:s24+$0xFA40] =	vst.add.f32.msk $0xffff, v5  }
0x194: {  	[tilespmem:s24+$0x12C40] =	vst.add.f32.msk $0xffff, v5  }
0x195: {  	[tilespmem:s24+$0xFA50] =	vst.add.f32.msk $0xffff, v6  }
0x196: {  	[tilespmem:s24+$0x12C50] =	vst.add.f32.msk $0xffff, v6  }
0x197: {  	[tilespmem:s24+$0xFA60] =	vst.add.f32.msk $0xffff, v7  }
0x198: {  	[tilespmem:s24+$0x12C60] =	vst.add.f32.msk $0xffff, v7  }
0x199: {  	[tilespmem:s24+$0xFA70] =	vst.add.f32.msk $0xffff, v8  }
0x19a: {  	[tilespmem:s24+$0x12C70] =	vst.add.f32.msk $0xffff, v8  }
0x19b: {  	[tilespmem:s24+$0xFA80] =	vst.add.f32.msk $0xffff, v9  }
0x19c: {  	[tilespmem:s24+$0x12C80] =	vst.add.f32.msk $0xffff, v9  }
0x19d: {  	[tilespmem:s24+$0xFA90] =	vst.add.f32.msk $0xffff, v10  }
0x19e: {  	[tilespmem:s24+$0x12C90] =	vst.add.f32.msk $0xffff, v10  }
0x19f: {  	[tilespmem:s24+$0xFAA0] =	vst.add.f32.msk $0xffff, v11  }
0x1a0: {  	[tilespmem:s24+$0x12CA0] =	vst.add.f32.msk $0xffff, v11  }
0x1a1: {  	[tilespmem:s24+$0xFAB0] =	vst.add.f32.msk $0xffff, v12  }
0x1a2: {  	[tilespmem:s24+$0x12CB0] =	vst.add.f32.msk $0xffff, v12  }
0x1a3: {  	[tilespmem:s24+$0xFAC0] =	vst.add.f32.msk $0xffff, v13  }
0x1a4: {  	[tilespmem:s24+$0x12CC0] =	vst.add.f32.msk $0xffff, v13  }
0x1a5: {  	[tilespmem:s24+$0xFAD0] =	vst.add.f32.msk $0xffff, v14  }
0x1a6: {  	[tilespmem:s24+$0x12CD0] =	vst.add.f32.msk $0xffff, v14  }
0x1a7: {  	[tilespmem:s24+$0xFAE0] =	vst.add.f32.msk $0xffff, v15  }
0x1a8: {  	[tilespmem:s24+$0x12CE0] =	vst.add.f32.msk $0xffff, v15  }
0x1a9: {  	[tilespmem:s24+$0xFAF0] =	vst.add.f32.msk $0xffff, v16  }
0x1aa: {  	[tilespmem:s24+$0x12CF0] =	vst.add.f32.msk $0xffff, v16  }
0x1ab: {  	[tilespmem:s24+$0xFB00] =	vst.add.f32.msk $0xffff, v17  }
0x1ac: {  	[tilespmem:s24+$0x12D00] =	vst.add.f32.msk $0xffff, v17  }
0x1ad: {  	[tilespmem:s24+$0xFB10] =	vst.add.f32.msk $0xffff, v18  }
0x1ae: {  	[tilespmem:s24+$0x12D10] =	vst.add.f32.msk $0xffff, v18  }
0x1af: {  	[tilespmem:s24+$0xFB20] =	vst.add.f32.msk $0xffff, v19  }
0x1b0: {  	[tilespmem:s24+$0x12D20] =	vst.add.f32.msk $0xffff, v19  }
0x1b1: {  	[tilespmem:s24+$0xFB30] =	vst.add.f32.msk $0xffff, v20  }
0x1b2: {  	[tilespmem:s24+$0x12D30] =	vst.add.f32.msk $0xffff, v20  }
0x1b3: {  	[tilespmem:s24+$0xFB40] =	vst.add.f32.msk $0xffff, v21  }
0x1b4: {  	[tilespmem:s24+$0x12D40] =	vst.add.f32.msk $0xffff, v21  }
0x1b5: {  	[tilespmem:s24+$0xFB50] =	vst.add.f32.msk $0xffff, v22  }
0x1b6: {  	[tilespmem:s24+$0x12D50] =	vst.add.f32.msk $0xffff, v22  }
0x1b7: {  	[tilespmem:s24+$0xFB60] =	vst.add.f32.msk $0xffff, v23  }
0x1b8: {  	[tilespmem:s24+$0x12D60] =	vst.add.f32.msk $0xffff, v23  }
0x1b9: {  	[tilespmem:s24+$0xFB70] =	vst.add.f32.msk $0xffff, v24  }
0x1ba: {  	[tilespmem:s24+$0x12D70] =	vst.add.f32.msk $0xffff, v24  }
0x1bb: {  	[tilespmem:s24+$0xFB80] =	vst.add.f32.msk $0xffff, v25  }
0x1bc: {  	[tilespmem:s24+$0x12D80] =	vst.add.f32.msk $0xffff, v25  }
0x1bd: {  	[tilespmem:s24+$0xFB90] =	vst.add.f32.msk $0xffff, v26  }
0x1be: {  	[tilespmem:s24+$0x12D90] =	vst.add.f32.msk $0xffff, v26  }
0x1bf: {  	[tilespmem:s24+$0xFBA0] =	vst.add.f32.msk $0xffff, v27  }
0x1c0: {  	[tilespmem:s24+$0x12DA0] =	vst.add.f32.msk $0xffff, v27  }
0x1c1: {  	[tilespmem:s24+$0xFBB0] =	vst.add.f32.msk $0xffff, v28  }
0x1c2: {  	[tilespmem:s24+$0x12DB0] =	vst.add.f32.msk $0xffff, v28  }
0x1c3: {  	[tilespmem:s24+$0xFBC0] =	vst.add.f32.msk $0xffff, v29  }
.Ltmp1:
0x1c4: {  	[tilespmem:s24+$0x12DC0] =	vst.add.f32.msk $0xffff, v29;
	(pc) =	sbr.rel @p0 .LBB2_4-.Ltmp1, $4  }
0x1c5: {  	[tilespmem:s24+$0xFBD0] =	vst.add.f32.msk $0xffff, v30  }
0x1c6: {  	[tilespmem:s24+$0x12DD0] =	vst.add.f32.msk $0xffff, v30  }
0x1c7: {  	[tilespmem:s24+$0xFBE0] =	vst.add.f32.msk $0xffff, v31  }
0x1c8: {  	s0 =	sadd.s32 $0x800, s0;
	[tilespmem:s24+$0x12DE0] =	vst.add.f32.msk $0xffff, v31  }
0x1c9: {  	[tilespmem:s24+$0xFBF0] =	vst.add.f32.msk $0xffff, v0;
	s24 =	simm.s32 $0x0  }
0x1ca: {  	[hbm4b:s9+s24] =	stream.linear.scatter [tilespmem:s25], [sflag:$0x3], $0x6400, $0x38;
	[tilespmem:$0x15E00] =	vst v63  }
.LBB2_6:
0x1cb: {  	_ =	swait.ge [sflag:s17], $0x6400;
	s26 =	smul.u32 $0x320, s24  }
0x1cc: {  	[sflag:s17] =	ssyncset.done $0x0  }
0x1cd: {  	[sflag:s17] =	ssyncadd.s32 $0xFFFF9C00;
	s0 =	sadd.s32 $0x3520, s26  }
0x1ce: {  	[tilespmem:s14], [sflag:$0x1] =	stream.indirect.gather [hbm4b:s5+s13], $0x40, s0, s13, $0xb8;
	[tilespmem:$0x15E00] =	vst v63  }
0x1cf: {  	s11 =	sadd.s32 $0x3570, s26  }
0x1d0: {  	[tilespmem:s16], [sflag:$0x1] =	stream.indirect.gather [hbm4b:s5+s13], $0x40, s11, s13, $0xb8;
	[tilespmem:$0x15E00] =	vst v63  }
0x1d1: {  	s11 =	sadd.s32 $0x35C0, s26  }
0x1d2: {  	[tilespmem:s18], [sflag:$0x1] =	stream.indirect.gather [hbm4b:s5+s13], $0x40, s11, s13, $0xb8;
	[tilespmem:$0x15E00] =	vst v63  }
0x1d3: {  	s11 =	sadd.s32 $0x3610, s26  }
0x1d4: {  	[tilespmem:s20], [sflag:$0x1] =	stream.indirect.gather [hbm4b:s5+s13], $0x40, s11, s13, $0xb8;
	[tilespmem:$0x15E00] =	vst v63  }
0x1d5: {  	s11 =	sadd.s32 $0x3660, s26  }
0x1d6: {  	[tilespmem:s22], [sflag:$0x1] =	stream.indirect.gather [hbm4b:s5+s13], $0x40, s11, s13, $0xb8;
	[tilespmem:$0x15E00] =	vst v63  }
0x1d7: {  	_ =	swait.ge [sflag:s23], $0x1400  }
0x1d8: {  	[sflag:s23] =	ssyncset.done $0x0  }
0x1d9: {  	[sflag:s23] =	ssyncadd.s32 $0xFFFFEC00  }
0x1da: {  	_ =	swait.ge [sflag:s23], $0x1400  }
0x1db: {  	[sflag:s23] =	ssyncset.done $0x0  }
0x1dc: {  	[sflag:s23] =	ssyncadd.s32 $0xFFFFEC00  }
0x1dd: {  	_ =	swait.ge [sflag:s23], $0x1400  }
0x1de: {  	[sflag:s23] =	ssyncset.done $0x0  }
0x1df: {  	[sflag:s23] =	ssyncadd.s32 $0xFFFFEC00  }
0x1e0: {  	_ =	swait.ge [sflag:s23], $0x1400  }
0x1e1: {  	[sflag:s23] =	ssyncset.done $0x0  }
0x1e2: {  	[sflag:s23] =	ssyncadd.s32 $0xFFFFEC00  }
0x1e3: {  	_ =	swait.ge [sflag:s23], $0x1400  }
0x1e4: {  	[sflag:s23] =	ssyncset.done $0x0  }
0x1e5: {  	s29 =	simm.s32 $0x0;
	[sflag:s23] =	ssyncadd.s32 $0xFFFFEC00  }
0x1e6: {  	v0 =	vld [tilespmem:s29+$0x1F0]  }
0x1e7: {  	v1 =	vld [tilespmem:s29+$0x0]  }
0x1e8: {  	v2 =	vld [tilespmem:s29+$0x10]  }
0x1e9: {  	v3 =	vld [tilespmem:s29+$0x20]  }
0x1ea: {  	v4 =	vld [tilespmem:s29+$0x30]  }
0x1eb: {  	v5 =	vld [tilespmem:s29+$0x40]  }
0x1ec: {  	v6 =	vld [tilespmem:s29+$0x50]  }
0x1ed: {  	v7 =	vld [tilespmem:s29+$0x60]  }
0x1ee: {  	v8 =	vld [tilespmem:s29+$0x70]  }
0x1ef: {  	v9 =	vld [tilespmem:s29+$0x80]  }
0x1f0: {  	v10 =	vld [tilespmem:s29+$0x90]  }
0x1f1: {  	v11 =	vld [tilespmem:s29+$0xA0]  }
0x1f2: {  	v12 =	vld [tilespmem:s29+$0xB0]  }
0x1f3: {  	v13 =	vld [tilespmem:s29+$0xC0]  }
0x1f4: {  	v14 =	vld [tilespmem:s29+$0xD0]  }
0x1f5: {  	v15 =	vld [tilespmem:s29+$0xE0]  }
0x1f6: {  	v16 =	vld [tilespmem:s29+$0xF0]  }
0x1f7: {  	v17 =	vld [tilespmem:s29+$0x100]  }
0x1f8: {  	v18 =	vld [tilespmem:s29+$0x110]  }
0x1f9: {  	v19 =	vld [tilespmem:s29+$0x120]  }
0x1fa: {  	v20 =	vld [tilespmem:s29+$0x130]  }
0x1fb: {  	v21 =	vld [tilespmem:s29+$0x140]  }
0x1fc: {  	v22 =	vld [tilespmem:s29+$0x150]  }
0x1fd: {  	v23 =	vld [tilespmem:s29+$0x160]  }
0x1fe: {  	v24 =	vld [tilespmem:s29+$0x170]  }
0x1ff: {  	v25 =	vld [tilespmem:s29+$0x180]  }
0x200: {  	v26 =	vld [tilespmem:s29+$0x190]  }
0x201: {  	v27 =	vld [tilespmem:s29+$0x1A0]  }
0x202: {  	v28 =	vld [tilespmem:s29+$0x1B0]  }
0x203: {  	v29 =	vld [tilespmem:s29+$0x1C0]  }
0x204: {  	v30 =	vld [tilespmem:s29+$0x1D0]  }
0x205: {  	v31 =	vld [tilespmem:s29+$0x1E0]  }
0x206: {  	[tilespmem:s29+$0xC9F0] =	vst.add.f32.msk $0xffff, v0  }
0x207: {  	[tilespmem:s29+$0x9600] =	vst.add.f32.msk $0xffff, v1  }
0x208: {  	[tilespmem:s29+$0xC800] =	vst.add.f32.msk $0xffff, v1  }
0x209: {  	[tilespmem:s29+$0x9610] =	vst.add.f32.msk $0xffff, v2  }
0x20a: {  	[tilespmem:s29+$0xC810] =	vst.add.f32.msk $0xffff, v2  }
0x20b: {  	[tilespmem:s29+$0x9620] =	vst.add.f32.msk $0xffff, v3  }
0x20c: {  	[tilespmem:s29+$0xC820] =	vst.add.f32.msk $0xffff, v3  }
0x20d: {  	[tilespmem:s29+$0x9630] =	vst.add.f32.msk $0xffff, v4  }
0x20e: {  	[tilespmem:s29+$0xC830] =	vst.add.f32.msk $0xffff, v4  }
0x20f: {  	[tilespmem:s29+$0x9640] =	vst.add.f32.msk $0xffff, v5  }
0x210: {  	[tilespmem:s29+$0xC840] =	vst.add.f32.msk $0xffff, v5  }
0x211: {  	[tilespmem:s29+$0x9650] =	vst.add.f32.msk $0xffff, v6  }
0x212: {  	[tilespmem:s29+$0xC850] =	vst.add.f32.msk $0xffff, v6  }
0x213: {  	[tilespmem:s29+$0x9660] =	vst.add.f32.msk $0xffff, v7  }
0x214: {  	[tilespmem:s29+$0xC860] =	vst.add.f32.msk $0xffff, v7  }
0x215: {  	[tilespmem:s29+$0x9670] =	vst.add.f32.msk $0xffff, v8  }
0x216: {  	[tilespmem:s29+$0xC870] =	vst.add.f32.msk $0xffff, v8  }
0x217: {  	[tilespmem:s29+$0x9680] =	vst.add.f32.msk $0xffff, v9  }
0x218: {  	[tilespmem:s29+$0xC880] =	vst.add.f32.msk $0xffff, v9  }
0x219: {  	[tilespmem:s29+$0x9690] =	vst.add.f32.msk $0xffff, v10  }
0x21a: {  	[tilespmem:s29+$0xC890] =	vst.add.f32.msk $0xffff, v10  }
0x21b: {  	[tilespmem:s29+$0x96A0] =	vst.add.f32.msk $0xffff, v11  }
0x21c: {  	[tilespmem:s29+$0xC8A0] =	vst.add.f32.msk $0xffff, v11  }
0x21d: {  	[tilespmem:s29+$0x96B0] =	vst.add.f32.msk $0xffff, v12  }
0x21e: {  	[tilespmem:s29+$0xC8B0] =	vst.add.f32.msk $0xffff, v12  }
0x21f: {  	[tilespmem:s29+$0x96C0] =	vst.add.f32.msk $0xffff, v13  }
0x220: {  	[tilespmem:s29+$0xC8C0] =	vst.add.f32.msk $0xffff, v13  }
0x221: {  	[tilespmem:s29+$0x96D0] =	vst.add.f32.msk $0xffff, v14  }
0x222: {  	[tilespmem:s29+$0xC8D0] =	vst.add.f32.msk $0xffff, v14  }
0x223: {  	[tilespmem:s29+$0x96E0] =	vst.add.f32.msk $0xffff, v15  }
0x224: {  	[tilespmem:s29+$0xC8E0] =	vst.add.f32.msk $0xffff, v15  }
0x225: {  	[tilespmem:s29+$0x96F0] =	vst.add.f32.msk $0xffff, v16  }
0x226: {  	[tilespmem:s29+$0xC8F0] =	vst.add.f32.msk $0xffff, v16  }
0x227: {  	[tilespmem:s29+$0x9700] =	vst.add.f32.msk $0xffff, v17  }
0x228: {  	[tilespmem:s29+$0xC900] =	vst.add.f32.msk $0xffff, v17  }
0x229: {  	[tilespmem:s29+$0x9710] =	vst.add.f32.msk $0xffff, v18  }
0x22a: {  	[tilespmem:s29+$0xC910] =	vst.add.f32.msk $0xffff, v18  }
0x22b: {  	[tilespmem:s29+$0x9720] =	vst.add.f32.msk $0xffff, v19  }
0x22c: {  	[tilespmem:s29+$0xC920] =	vst.add.f32.msk $0xffff, v19  }
0x22d: {  	[tilespmem:s29+$0x9730] =	vst.add.f32.msk $0xffff, v20  }
0x22e: {  	[tilespmem:s29+$0xC930] =	vst.add.f32.msk $0xffff, v20  }
0x22f: {  	[tilespmem:s29+$0x9740] =	vst.add.f32.msk $0xffff, v21  }
0x230: {  	[tilespmem:s29+$0xC940] =	vst.add.f32.msk $0xffff, v21  }
0x231: {  	[tilespmem:s29+$0x9750] =	vst.add.f32.msk $0xffff, v22  }
0x232: {  	[tilespmem:s29+$0xC950] =	vst.add.f32.msk $0xffff, v22  }
0x233: {  	[tilespmem:s29+$0x9760] =	vst.add.f32.msk $0xffff, v23  }
0x234: {  	[tilespmem:s29+$0xC960] =	vst.add.f32.msk $0xffff, v23  }
0x235: {  	[tilespmem:s29+$0x9770] =	vst.add.f32.msk $0xffff, v24  }
0x236: {  	[tilespmem:s29+$0xC970] =	vst.add.f32.msk $0xffff, v24  }
0x237: {  	[tilespmem:s29+$0x9780] =	vst.add.f32.msk $0xffff, v25  }
0x238: {  	[tilespmem:s29+$0xC980] =	vst.add.f32.msk $0xffff, v25  }
0x239: {  	[tilespmem:s29+$0x9790] =	vst.add.f32.msk $0xffff, v26  }
0x23a: {  	[tilespmem:s29+$0xC990] =	vst.add.f32.msk $0xffff, v26  }
0x23b: {  	[tilespmem:s29+$0x97A0] =	vst.add.f32.msk $0xffff, v27  }
0x23c: {  	[tilespmem:s29+$0xC9A0] =	vst.add.f32.msk $0xffff, v27  }
0x23d: {  	[tilespmem:s29+$0x97B0] =	vst.add.f32.msk $0xffff, v28  }
0x23e: {  	[tilespmem:s29+$0xC9B0] =	vst.add.f32.msk $0xffff, v28  }
0x23f: {  	[tilespmem:s29+$0x97C0] =	vst.add.f32.msk $0xffff, v29  }
0x240: {  	[tilespmem:s29+$0xC9C0] =	vst.add.f32.msk $0xffff, v29  }
0x241: {  	[tilespmem:s29+$0x97D0] =	vst.add.f32.msk $0xffff, v30  }
0x242: {  	[tilespmem:s29+$0xC9D0] =	vst.add.f32.msk $0xffff, v30  }
0x243: {  	[tilespmem:s29+$0x97E0] =	vst.add.f32.msk $0xffff, v31  }
0x244: {  	s31 =	sadd.s32 $0x320, s26;
	s0 =	simm.s32 $0x0;
	s11 =	simm.s32 $0x800;
	[tilespmem:s29+$0xC9E0] =	vst.add.f32.msk $0xffff, v31  }
.LBB2_7:
0x245: {  	s0 =	sadd.s32 $0x8, s0;
	[tilespmem:s29+$0x97F0] =	vst.add.f32.msk $0xffff, v0;
	s29 =	sshra.s32 s11, $0x2  }
0x246: {  	v0 =	vld [tilespmem:s29+$0x1F0];
	p0 =	slt.u32 s0, $0xC0  }
0x247: {  	v1 =	vld [tilespmem:s29+$0x0]  }
0x248: {  	v2 =	vld [tilespmem:s29+$0x10]  }
0x249: {  	v3 =	vld [tilespmem:s29+$0x20]  }
0x24a: {  	v4 =	vld [tilespmem:s29+$0x30]  }
0x24b: {  	[tilespmem:s29+$0xC9F0] =	vst.add.f32.msk $0xffff, v0  }
0x24c: {  	v5 =	vld [tilespmem:s29+$0x40]  }
0x24d: {  	v6 =	vld [tilespmem:s29+$0x50]  }
0x24e: {  	v7 =	vld [tilespmem:s29+$0x60]  }
0x24f: {  	v8 =	vld [tilespmem:s29+$0x70]  }
0x250: {  	v9 =	vld [tilespmem:s29+$0x80]  }
0x251: {  	v10 =	vld [tilespmem:s29+$0x90]  }
0x252: {  	v11 =	vld [tilespmem:s29+$0xA0]  }
0x253: {  	v12 =	vld [tilespmem:s29+$0xB0]  }
0x254: {  	v13 =	vld [tilespmem:s29+$0xC0]  }
0x255: {  	v14 =	vld [tilespmem:s29+$0xD0]  }
0x256: {  	v15 =	vld [tilespmem:s29+$0xE0]  }
0x257: {  	v16 =	vld [tilespmem:s29+$0xF0]  }
0x258: {  	v17 =	vld [tilespmem:s29+$0x100]  }
0x259: {  	v18 =	vld [tilespmem:s29+$0x110]  }
0x25a: {  	v19 =	vld [tilespmem:s29+$0x120]  }
0x25b: {  	v20 =	vld [tilespmem:s29+$0x130]  }
0x25c: {  	v21 =	vld [tilespmem:s29+$0x140]  }
0x25d: {  	v22 =	vld [tilespmem:s29+$0x150]  }
0x25e: {  	v23 =	vld [tilespmem:s29+$0x160]  }
0x25f: {  	v24 =	vld [tilespmem:s29+$0x170]  }
0x260: {  	v25 =	vld [tilespmem:s29+$0x180]  }
0x261: {  	v26 =	vld [tilespmem:s29+$0x190]  }
0x262: {  	v27 =	vld [tilespmem:s29+$0x1A0]  }
0x263: {  	v28 =	vld [tilespmem:s29+$0x1B0]  }
0x264: {  	v29 =	vld [tilespmem:s29+$0x1C0]  }
0x265: {  	v30 =	vld [tilespmem:s29+$0x1D0]  }
0x266: {  	v31 =	vld [tilespmem:s29+$0x1E0]  }
0x267: {  	[tilespmem:s29+$0x9600] =	vst.add.f32.msk $0xffff, v1  }
0x268: {  	[tilespmem:s29+$0xC800] =	vst.add.f32.msk $0xffff, v1  }
0x269: {  	[tilespmem:s29+$0x9610] =	vst.add.f32.msk $0xffff, v2  }
0x26a: {  	[tilespmem:s29+$0xC810] =	vst.add.f32.msk $0xffff, v2  }
0x26b: {  	[tilespmem:s29+$0x9620] =	vst.add.f32.msk $0xffff, v3  }
0x26c: {  	[tilespmem:s29+$0xC820] =	vst.add.f32.msk $0xffff, v3  }
0x26d: {  	[tilespmem:s29+$0x9630] =	vst.add.f32.msk $0xffff, v4  }
0x26e: {  	[tilespmem:s29+$0xC830] =	vst.add.f32.msk $0xffff, v4  }
0x26f: {  	[tilespmem:s29+$0x9640] =	vst.add.f32.msk $0xffff, v5  }
0x270: {  	[tilespmem:s29+$0xC840] =	vst.add.f32.msk $0xffff, v5  }
0x271: {  	[tilespmem:s29+$0x9650] =	vst.add.f32.msk $0xffff, v6  }
0x272: {  	[tilespmem:s29+$0xC850] =	vst.add.f32.msk $0xffff, v6  }
0x273: {  	[tilespmem:s29+$0x9660] =	vst.add.f32.msk $0xffff, v7  }
0x274: {  	[tilespmem:s29+$0xC860] =	vst.add.f32.msk $0xffff, v7  }
0x275: {  	[tilespmem:s29+$0x9670] =	vst.add.f32.msk $0xffff, v8  }
0x276: {  	[tilespmem:s29+$0xC870] =	vst.add.f32.msk $0xffff, v8  }
0x277: {  	[tilespmem:s29+$0x9680] =	vst.add.f32.msk $0xffff, v9  }
0x278: {  	[tilespmem:s29+$0xC880] =	vst.add.f32.msk $0xffff, v9  }
0x279: {  	[tilespmem:s29+$0x9690] =	vst.add.f32.msk $0xffff, v10  }
0x27a: {  	[tilespmem:s29+$0xC890] =	vst.add.f32.msk $0xffff, v10  }
0x27b: {  	[tilespmem:s29+$0x96A0] =	vst.add.f32.msk $0xffff, v11  }
0x27c: {  	[tilespmem:s29+$0xC8A0] =	vst.add.f32.msk $0xffff, v11  }
0x27d: {  	[tilespmem:s29+$0x96B0] =	vst.add.f32.msk $0xffff, v12  }
0x27e: {  	[tilespmem:s29+$0xC8B0] =	vst.add.f32.msk $0xffff, v12  }
0x27f: {  	[tilespmem:s29+$0x96C0] =	vst.add.f32.msk $0xffff, v13  }
0x280: {  	[tilespmem:s29+$0xC8C0] =	vst.add.f32.msk $0xffff, v13  }
0x281: {  	[tilespmem:s29+$0x96D0] =	vst.add.f32.msk $0xffff, v14  }
0x282: {  	[tilespmem:s29+$0xC8D0] =	vst.add.f32.msk $0xffff, v14  }
0x283: {  	[tilespmem:s29+$0x96E0] =	vst.add.f32.msk $0xffff, v15  }
0x284: {  	[tilespmem:s29+$0xC8E0] =	vst.add.f32.msk $0xffff, v15  }
0x285: {  	[tilespmem:s29+$0x96F0] =	vst.add.f32.msk $0xffff, v16  }
0x286: {  	[tilespmem:s29+$0xC8F0] =	vst.add.f32.msk $0xffff, v16  }
0x287: {  	[tilespmem:s29+$0x9700] =	vst.add.f32.msk $0xffff, v17  }
0x288: {  	[tilespmem:s29+$0xC900] =	vst.add.f32.msk $0xffff, v17  }
0x289: {  	[tilespmem:s29+$0x9710] =	vst.add.f32.msk $0xffff, v18  }
0x28a: {  	[tilespmem:s29+$0xC910] =	vst.add.f32.msk $0xffff, v18  }
0x28b: {  	[tilespmem:s29+$0x9720] =	vst.add.f32.msk $0xffff, v19  }
0x28c: {  	[tilespmem:s29+$0xC920] =	vst.add.f32.msk $0xffff, v19  }
0x28d: {  	[tilespmem:s29+$0x9730] =	vst.add.f32.msk $0xffff, v20  }
0x28e: {  	[tilespmem:s29+$0xC930] =	vst.add.f32.msk $0xffff, v20  }
0x28f: {  	[tilespmem:s29+$0x9740] =	vst.add.f32.msk $0xffff, v21  }
0x290: {  	[tilespmem:s29+$0xC940] =	vst.add.f32.msk $0xffff, v21  }
0x291: {  	[tilespmem:s29+$0x9750] =	vst.add.f32.msk $0xffff, v22  }
0x292: {  	[tilespmem:s29+$0xC950] =	vst.add.f32.msk $0xffff, v22  }
0x293: {  	[tilespmem:s29+$0x9760] =	vst.add.f32.msk $0xffff, v23  }
0x294: {  	[tilespmem:s29+$0xC960] =	vst.add.f32.msk $0xffff, v23  }
0x295: {  	[tilespmem:s29+$0x9770] =	vst.add.f32.msk $0xffff, v24  }
0x296: {  	[tilespmem:s29+$0xC970] =	vst.add.f32.msk $0xffff, v24  }
0x297: {  	[tilespmem:s29+$0x9780] =	vst.add.f32.msk $0xffff, v25  }
0x298: {  	[tilespmem:s29+$0xC980] =	vst.add.f32.msk $0xffff, v25  }
0x299: {  	[tilespmem:s29+$0x9790] =	vst.add.f32.msk $0xffff, v26  }
0x29a: {  	[tilespmem:s29+$0xC990] =	vst.add.f32.msk $0xffff, v26  }
0x29b: {  	[tilespmem:s29+$0x97A0] =	vst.add.f32.msk $0xffff, v27  }
0x29c: {  	[tilespmem:s29+$0xC9A0] =	vst.add.f32.msk $0xffff, v27  }
0x29d: {  	[tilespmem:s29+$0x97B0] =	vst.add.f32.msk $0xffff, v28  }
0x29e: {  	[tilespmem:s29+$0xC9B0] =	vst.add.f32.msk $0xffff, v28  }
0x29f: {  	[tilespmem:s29+$0x97C0] =	vst.add.f32.msk $0xffff, v29  }
.Ltmp2:
0x2a0: {  	[tilespmem:s29+$0xC9C0] =	vst.add.f32.msk $0xffff, v29;
	(pc) =	sbr.rel @p0 .LBB2_7-.Ltmp2, $4  }
0x2a1: {  	[tilespmem:s29+$0x97D0] =	vst.add.f32.msk $0xffff, v30  }
0x2a2: {  	[tilespmem:s29+$0xC9D0] =	vst.add.f32.msk $0xffff, v30  }
0x2a3: {  	[tilespmem:s29+$0x97E0] =	vst.add.f32.msk $0xffff, v31  }
0x2a4: {  	s11 =	sadd.s32 $0x800, s11;
	[tilespmem:s29+$0xC9E0] =	vst.add.f32.msk $0xffff, v31  }
0x2a5: {  	s0 =	sadd.s32 s4, s31  }
0x2a6: {  	s0 =	sshll.u32 s0, $0x3  }
0x2a7: {  	s0 =	sand.u32 $0x1FFFFF00, s0  }
0x2a8: {  	[tilespmem:s29+$0x97F0] =	vst.add.f32.msk $0xffff, v0;
	s11 =	simm.s32 $0x0;
	s0 =	sadd.s32 s2, s0  }
0x2a9: {  	[hbm4b:s0+s11] =	stream.linear.scatter [tilespmem:s14], [sflag:$0x2], $0x6400, $0x38;
	[tilespmem:$0x15E00] =	vst v63  }
0x2aa: {  	_ =	swait.ge [sflag:s19], $0x6400  }
0x2ab: {  	[sflag:s19] =	ssyncset.done $0x0  }
0x2ac: {  	s31 =	sadd.s32 $0x36B0, s26;
	[sflag:s19] =	ssyncadd.s32 $0xFFFF9C00  }
0x2ad: {  	[tilespmem:s25], [sflag:$0x1] =	stream.indirect.gather [hbm4b:s5+s13], $0x40, s31, s13, $0xb8;
	[tilespmem:$0x15E00] =	vst v63  }
0x2ae: {  	s11 =	sadd.s32 $0x3700, s26  }
0x2af: {  	[tilespmem:s28], [sflag:$0x1] =	stream.indirect.gather [hbm4b:s5+s13], $0x40, s11, s13, $0xb8;
	[tilespmem:$0x15E00] =	vst v63  }
0x2b0: {  	s31 =	sadd.s32 $0x3750, s26  }
0x2b1: {  	[tilespmem:s30], [sflag:$0x1] =	stream.indirect.gather [hbm4b:s5+s13], $0x40, s31, s13, $0xb8;
	[tilespmem:$0x15E00] =	vst v63  }
0x2b2: {  	s11 =	sadd.s32 $0x37A0, s26  }
0x2b3: {  	[tilespmem:s1], [sflag:$0x1] =	stream.indirect.gather [hbm4b:s5+s13], $0x40, s11, s13, $0xb8;
	[tilespmem:$0x15E00] =	vst v63  }
0x2b4: {  	s31 =	sadd.s32 $0x37F0, s26  }
0x2b5: {  	[tilespmem:s15], [sflag:$0x1] =	stream.indirect.gather [hbm4b:s5+s13], $0x40, s31, s13, $0xb8;
	[tilespmem:$0x15E00] =	vst v63  }
0x2b6: {  	_ =	swait.ge [sflag:s23], $0x1400  }
0x2b7: {  	[sflag:s23] =	ssyncset.done $0x0  }
0x2b8: {  	[sflag:s23] =	ssyncadd.s32 $0xFFFFEC00  }
0x2b9: {  	_ =	swait.ge [sflag:s23], $0x1400  }
0x2ba: {  	[sflag:s23] =	ssyncset.done $0x0  }
0x2bb: {  	[sflag:s23] =	ssyncadd.s32 $0xFFFFEC00  }
0x2bc: {  	_ =	swait.ge [sflag:s23], $0x1400  }
0x2bd: {  	[sflag:s23] =	ssyncset.done $0x0  }
0x2be: {  	[sflag:s23] =	ssyncadd.s32 $0xFFFFEC00  }
0x2bf: {  	_ =	swait.ge [sflag:s23], $0x1400  }
0x2c0: {  	[sflag:s23] =	ssyncset.done $0x0  }
0x2c1: {  	[sflag:s23] =	ssyncadd.s32 $0xFFFFEC00  }
0x2c2: {  	_ =	swait.ge [sflag:s23], $0x1400  }
0x2c3: {  	[sflag:s23] =	ssyncset.done $0x0  }
0x2c4: {  	s29 =	simm.s32 $0x0;
	[sflag:s23] =	ssyncadd.s32 $0xFFFFEC00  }
0x2c5: {  	v0 =	vld [tilespmem:s29+$0x1F0]  }
0x2c6: {  	v1 =	vld [tilespmem:s29+$0x0]  }
0x2c7: {  	v2 =	vld [tilespmem:s29+$0x10]  }
0x2c8: {  	v3 =	vld [tilespmem:s29+$0x20]  }
0x2c9: {  	v4 =	vld [tilespmem:s29+$0x30]  }
0x2ca: {  	v5 =	vld [tilespmem:s29+$0x40]  }
0x2cb: {  	v6 =	vld [tilespmem:s29+$0x50]  }
0x2cc: {  	v7 =	vld [tilespmem:s29+$0x60]  }
0x2cd: {  	v8 =	vld [tilespmem:s29+$0x70]  }
0x2ce: {  	v9 =	vld [tilespmem:s29+$0x80]  }
0x2cf: {  	v10 =	vld [tilespmem:s29+$0x90]  }
0x2d0: {  	v11 =	vld [tilespmem:s29+$0xA0]  }
0x2d1: {  	v12 =	vld [tilespmem:s29+$0xB0]  }
0x2d2: {  	v13 =	vld [tilespmem:s29+$0xC0]  }
0x2d3: {  	v14 =	vld [tilespmem:s29+$0xD0]  }
0x2d4: {  	v15 =	vld [tilespmem:s29+$0xE0]  }
0x2d5: {  	v16 =	vld [tilespmem:s29+$0xF0]  }
0x2d6: {  	v17 =	vld [tilespmem:s29+$0x100]  }
0x2d7: {  	v18 =	vld [tilespmem:s29+$0x110]  }
0x2d8: {  	v19 =	vld [tilespmem:s29+$0x120]  }
0x2d9: {  	v20 =	vld [tilespmem:s29+$0x130]  }
0x2da: {  	v21 =	vld [tilespmem:s29+$0x140]  }
0x2db: {  	v22 =	vld [tilespmem:s29+$0x150]  }
0x2dc: {  	v23 =	vld [tilespmem:s29+$0x160]  }
0x2dd: {  	v24 =	vld [tilespmem:s29+$0x170]  }
0x2de: {  	v25 =	vld [tilespmem:s29+$0x180]  }
0x2df: {  	v26 =	vld [tilespmem:s29+$0x190]  }
0x2e0: {  	v27 =	vld [tilespmem:s29+$0x1A0]  }
0x2e1: {  	v28 =	vld [tilespmem:s29+$0x1B0]  }
0x2e2: {  	v29 =	vld [tilespmem:s29+$0x1C0]  }
0x2e3: {  	v30 =	vld [tilespmem:s29+$0x1D0]  }
0x2e4: {  	v31 =	vld [tilespmem:s29+$0x1E0]  }
0x2e5: {  	[tilespmem:s29+$0x12DF0] =	vst.add.f32.msk $0xffff, v0  }
0x2e6: {  	[tilespmem:s29+$0xFA00] =	vst.add.f32.msk $0xffff, v1  }
0x2e7: {  	[tilespmem:s29+$0x12C00] =	vst.add.f32.msk $0xffff, v1  }
0x2e8: {  	[tilespmem:s29+$0xFA10] =	vst.add.f32.msk $0xffff, v2  }
0x2e9: {  	[tilespmem:s29+$0x12C10] =	vst.add.f32.msk $0xffff, v2  }
0x2ea: {  	[tilespmem:s29+$0xFA20] =	vst.add.f32.msk $0xffff, v3  }
0x2eb: {  	[tilespmem:s29+$0x12C20] =	vst.add.f32.msk $0xffff, v3  }
0x2ec: {  	[tilespmem:s29+$0xFA30] =	vst.add.f32.msk $0xffff, v4  }
0x2ed: {  	[tilespmem:s29+$0x12C30] =	vst.add.f32.msk $0xffff, v4  }
0x2ee: {  	[tilespmem:s29+$0xFA40] =	vst.add.f32.msk $0xffff, v5  }
0x2ef: {  	[tilespmem:s29+$0x12C40] =	vst.add.f32.msk $0xffff, v5  }
0x2f0: {  	[tilespmem:s29+$0xFA50] =	vst.add.f32.msk $0xffff, v6  }
0x2f1: {  	[tilespmem:s29+$0x12C50] =	vst.add.f32.msk $0xffff, v6  }
0x2f2: {  	[tilespmem:s29+$0xFA60] =	vst.add.f32.msk $0xffff, v7  }
0x2f3: {  	[tilespmem:s29+$0x12C60] =	vst.add.f32.msk $0xffff, v7  }
0x2f4: {  	[tilespmem:s29+$0xFA70] =	vst.add.f32.msk $0xffff, v8  }
0x2f5: {  	[tilespmem:s29+$0x12C70] =	vst.add.f32.msk $0xffff, v8  }
0x2f6: {  	[tilespmem:s29+$0xFA80] =	vst.add.f32.msk $0xffff, v9  }
0x2f7: {  	[tilespmem:s29+$0x12C80] =	vst.add.f32.msk $0xffff, v9  }
0x2f8: {  	[tilespmem:s29+$0xFA90] =	vst.add.f32.msk $0xffff, v10  }
0x2f9: {  	[tilespmem:s29+$0x12C90] =	vst.add.f32.msk $0xffff, v10  }
0x2fa: {  	[tilespmem:s29+$0xFAA0] =	vst.add.f32.msk $0xffff, v11  }
0x2fb: {  	[tilespmem:s29+$0x12CA0] =	vst.add.f32.msk $0xffff, v11  }
0x2fc: {  	[tilespmem:s29+$0xFAB0] =	vst.add.f32.msk $0xffff, v12  }
0x2fd: {  	[tilespmem:s29+$0x12CB0] =	vst.add.f32.msk $0xffff, v12  }
0x2fe: {  	[tilespmem:s29+$0xFAC0] =	vst.add.f32.msk $0xffff, v13  }
0x2ff: {  	[tilespmem:s29+$0x12CC0] =	vst.add.f32.msk $0xffff, v13  }
0x300: {  	[tilespmem:s29+$0xFAD0] =	vst.add.f32.msk $0xffff, v14  }
0x301: {  	[tilespmem:s29+$0x12CD0] =	vst.add.f32.msk $0xffff, v14  }
0x302: {  	[tilespmem:s29+$0xFAE0] =	vst.add.f32.msk $0xffff, v15  }
0x303: {  	[tilespmem:s29+$0x12CE0] =	vst.add.f32.msk $0xffff, v15  }
0x304: {  	[tilespmem:s29+$0xFAF0] =	vst.add.f32.msk $0xffff, v16  }
0x305: {  	[tilespmem:s29+$0x12CF0] =	vst.add.f32.msk $0xffff, v16  }
0x306: {  	[tilespmem:s29+$0xFB00] =	vst.add.f32.msk $0xffff, v17  }
0x307: {  	[tilespmem:s29+$0x12D00] =	vst.add.f32.msk $0xffff, v17  }
0x308: {  	[tilespmem:s29+$0xFB10] =	vst.add.f32.msk $0xffff, v18  }
0x309: {  	[tilespmem:s29+$0x12D10] =	vst.add.f32.msk $0xffff, v18  }
0x30a: {  	[tilespmem:s29+$0xFB20] =	vst.add.f32.msk $0xffff, v19  }
0x30b: {  	[tilespmem:s29+$0x12D20] =	vst.add.f32.msk $0xffff, v19  }
0x30c: {  	[tilespmem:s29+$0xFB30] =	vst.add.f32.msk $0xffff, v20  }
0x30d: {  	[tilespmem:s29+$0x12D30] =	vst.add.f32.msk $0xffff, v20  }
0x30e: {  	[tilespmem:s29+$0xFB40] =	vst.add.f32.msk $0xffff, v21  }
0x30f: {  	[tilespmem:s29+$0x12D40] =	vst.add.f32.msk $0xffff, v21  }
0x310: {  	[tilespmem:s29+$0xFB50] =	vst.add.f32.msk $0xffff, v22  }
0x311: {  	[tilespmem:s29+$0x12D50] =	vst.add.f32.msk $0xffff, v22  }
0x312: {  	[tilespmem:s29+$0xFB60] =	vst.add.f32.msk $0xffff, v23  }
0x313: {  	[tilespmem:s29+$0x12D60] =	vst.add.f32.msk $0xffff, v23  }
0x314: {  	[tilespmem:s29+$0xFB70] =	vst.add.f32.msk $0xffff, v24  }
0x315: {  	[tilespmem:s29+$0x12D70] =	vst.add.f32.msk $0xffff, v24  }
0x316: {  	[tilespmem:s29+$0xFB80] =	vst.add.f32.msk $0xffff, v25  }
0x317: {  	[tilespmem:s29+$0x12D80] =	vst.add.f32.msk $0xffff, v25  }
0x318: {  	[tilespmem:s29+$0xFB90] =	vst.add.f32.msk $0xffff, v26  }
0x319: {  	[tilespmem:s29+$0x12D90] =	vst.add.f32.msk $0xffff, v26  }
0x31a: {  	[tilespmem:s29+$0xFBA0] =	vst.add.f32.msk $0xffff, v27  }
0x31b: {  	[tilespmem:s29+$0x12DA0] =	vst.add.f32.msk $0xffff, v27  }
0x31c: {  	[tilespmem:s29+$0xFBB0] =	vst.add.f32.msk $0xffff, v28  }
0x31d: {  	[tilespmem:s29+$0x12DB0] =	vst.add.f32.msk $0xffff, v28  }
0x31e: {  	[tilespmem:s29+$0xFBC0] =	vst.add.f32.msk $0xffff, v29  }
0x31f: {  	[tilespmem:s29+$0x12DC0] =	vst.add.f32.msk $0xffff, v29  }
0x320: {  	[tilespmem:s29+$0xFBD0] =	vst.add.f32.msk $0xffff, v30  }
0x321: {  	[tilespmem:s29+$0x12DD0] =	vst.add.f32.msk $0xffff, v30  }
0x322: {  	[tilespmem:s29+$0xFBE0] =	vst.add.f32.msk $0xffff, v31  }
0x323: {  	s0 =	simm.s32 $0x0;
	s26 =	sadd.s32 $0x4B0, s26;
	s11 =	simm.s32 $0x800;
	[tilespmem:s29+$0x12DE0] =	vst.add.f32.msk $0xffff, v31  }
.LBB2_9:
0x324: {  	s0 =	sadd.s32 $0x8, s0;
	[tilespmem:s29+$0xFBF0] =	vst.add.f32.msk $0xffff, v0;
	s29 =	sshra.s32 s11, $0x2  }
0x325: {  	v0 =	vld [tilespmem:s29+$0x1F0];
	p0 =	slt.u32 s0, $0xC0  }
0x326: {  	v1 =	vld [tilespmem:s29+$0x0]  }
0x327: {  	v2 =	vld [tilespmem:s29+$0x10]  }
0x328: {  	v3 =	vld [tilespmem:s29+$0x20]  }
0x329: {  	v4 =	vld [tilespmem:s29+$0x30]  }
0x32a: {  	[tilespmem:s29+$0x12DF0] =	vst.add.f32.msk $0xffff, v0  }
0x32b: {  	v5 =	vld [tilespmem:s29+$0x40]  }
0x32c: {  	v6 =	vld [tilespmem:s29+$0x50]  }
0x32d: {  	v7 =	vld [tilespmem:s29+$0x60]  }
0x32e: {  	v8 =	vld [tilespmem:s29+$0x70]  }
0x32f: {  	v9 =	vld [tilespmem:s29+$0x80]  }
0x330: {  	v10 =	vld [tilespmem:s29+$0x90]  }
0x331: {  	v11 =	vld [tilespmem:s29+$0xA0]  }
0x332: {  	v12 =	vld [tilespmem:s29+$0xB0]  }
0x333: {  	v13 =	vld [tilespmem:s29+$0xC0]  }
0x334: {  	v14 =	vld [tilespmem:s29+$0xD0]  }
0x335: {  	v15 =	vld [tilespmem:s29+$0xE0]  }
0x336: {  	v16 =	vld [tilespmem:s29+$0xF0]  }
0x337: {  	v17 =	vld [tilespmem:s29+$0x100]  }
0x338: {  	v18 =	vld [tilespmem:s29+$0x110]  }
0x339: {  	v19 =	vld [tilespmem:s29+$0x120]  }
0x33a: {  	v20 =	vld [tilespmem:s29+$0x130]  }
0x33b: {  	v21 =	vld [tilespmem:s29+$0x140]  }
0x33c: {  	v22 =	vld [tilespmem:s29+$0x150]  }
0x33d: {  	v23 =	vld [tilespmem:s29+$0x160]  }
0x33e: {  	v24 =	vld [tilespmem:s29+$0x170]  }
0x33f: {  	v25 =	vld [tilespmem:s29+$0x180]  }
0x340: {  	v26 =	vld [tilespmem:s29+$0x190]  }
0x341: {  	v27 =	vld [tilespmem:s29+$0x1A0]  }
0x342: {  	v28 =	vld [tilespmem:s29+$0x1B0]  }
0x343: {  	v29 =	vld [tilespmem:s29+$0x1C0]  }
0x344: {  	v30 =	vld [tilespmem:s29+$0x1D0]  }
0x345: {  	v31 =	vld [tilespmem:s29+$0x1E0]  }
0x346: {  	[tilespmem:s29+$0xFA00] =	vst.add.f32.msk $0xffff, v1  }
0x347: {  	[tilespmem:s29+$0x12C00] =	vst.add.f32.msk $0xffff, v1  }
0x348: {  	[tilespmem:s29+$0xFA10] =	vst.add.f32.msk $0xffff, v2  }
0x349: {  	[tilespmem:s29+$0x12C10] =	vst.add.f32.msk $0xffff, v2  }
0x34a: {  	[tilespmem:s29+$0xFA20] =	vst.add.f32.msk $0xffff, v3  }
0x34b: {  	[tilespmem:s29+$0x12C20] =	vst.add.f32.msk $0xffff, v3  }
0x34c: {  	[tilespmem:s29+$0xFA30] =	vst.add.f32.msk $0xffff, v4  }
0x34d: {  	[tilespmem:s29+$0x12C30] =	vst.add.f32.msk $0xffff, v4  }
0x34e: {  	[tilespmem:s29+$0xFA40] =	vst.add.f32.msk $0xffff, v5  }
0x34f: {  	[tilespmem:s29+$0x12C40] =	vst.add.f32.msk $0xffff, v5  }
0x350: {  	[tilespmem:s29+$0xFA50] =	vst.add.f32.msk $0xffff, v6  }
0x351: {  	[tilespmem:s29+$0x12C50] =	vst.add.f32.msk $0xffff, v6  }
0x352: {  	[tilespmem:s29+$0xFA60] =	vst.add.f32.msk $0xffff, v7  }
0x353: {  	[tilespmem:s29+$0x12C60] =	vst.add.f32.msk $0xffff, v7  }
0x354: {  	[tilespmem:s29+$0xFA70] =	vst.add.f32.msk $0xffff, v8  }
0x355: {  	[tilespmem:s29+$0x12C70] =	vst.add.f32.msk $0xffff, v8  }
0x356: {  	[tilespmem:s29+$0xFA80] =	vst.add.f32.msk $0xffff, v9  }
0x357: {  	[tilespmem:s29+$0x12C80] =	vst.add.f32.msk $0xffff, v9  }
0x358: {  	[tilespmem:s29+$0xFA90] =	vst.add.f32.msk $0xffff, v10  }
0x359: {  	[tilespmem:s29+$0x12C90] =	vst.add.f32.msk $0xffff, v10  }
0x35a: {  	[tilespmem:s29+$0xFAA0] =	vst.add.f32.msk $0xffff, v11  }
0x35b: {  	[tilespmem:s29+$0x12CA0] =	vst.add.f32.msk $0xffff, v11  }
0x35c: {  	[tilespmem:s29+$0xFAB0] =	vst.add.f32.msk $0xffff, v12  }
0x35d: {  	[tilespmem:s29+$0x12CB0] =	vst.add.f32.msk $0xffff, v12  }
0x35e: {  	[tilespmem:s29+$0xFAC0] =	vst.add.f32.msk $0xffff, v13  }
0x35f: {  	[tilespmem:s29+$0x12CC0] =	vst.add.f32.msk $0xffff, v13  }
0x360: {  	[tilespmem:s29+$0xFAD0] =	vst.add.f32.msk $0xffff, v14  }
0x361: {  	[tilespmem:s29+$0x12CD0] =	vst.add.f32.msk $0xffff, v14  }
0x362: {  	[tilespmem:s29+$0xFAE0] =	vst.add.f32.msk $0xffff, v15  }
0x363: {  	[tilespmem:s29+$0x12CE0] =	vst.add.f32.msk $0xffff, v15  }
0x364: {  	[tilespmem:s29+$0xFAF0] =	vst.add.f32.msk $0xffff, v16  }
0x365: {  	[tilespmem:s29+$0x12CF0] =	vst.add.f32.msk $0xffff, v16  }
0x366: {  	[tilespmem:s29+$0xFB00] =	vst.add.f32.msk $0xffff, v17  }
0x367: {  	[tilespmem:s29+$0x12D00] =	vst.add.f32.msk $0xffff, v17  }
0x368: {  	[tilespmem:s29+$0xFB10] =	vst.add.f32.msk $0xffff, v18  }
0x369: {  	[tilespmem:s29+$0x12D10] =	vst.add.f32.msk $0xffff, v18  }
0x36a: {  	[tilespmem:s29+$0xFB20] =	vst.add.f32.msk $0xffff, v19  }
0x36b: {  	[tilespmem:s29+$0x12D20] =	vst.add.f32.msk $0xffff, v19  }
0x36c: {  	[tilespmem:s29+$0xFB30] =	vst.add.f32.msk $0xffff, v20  }
0x36d: {  	[tilespmem:s29+$0x12D30] =	vst.add.f32.msk $0xffff, v20  }
0x36e: {  	[tilespmem:s29+$0xFB40] =	vst.add.f32.msk $0xffff, v21  }
0x36f: {  	[tilespmem:s29+$0x12D40] =	vst.add.f32.msk $0xffff, v21  }
0x370: {  	[tilespmem:s29+$0xFB50] =	vst.add.f32.msk $0xffff, v22  }
0x371: {  	[tilespmem:s29+$0x12D50] =	vst.add.f32.msk $0xffff, v22  }
0x372: {  	[tilespmem:s29+$0xFB60] =	vst.add.f32.msk $0xffff, v23  }
0x373: {  	[tilespmem:s29+$0x12D60] =	vst.add.f32.msk $0xffff, v23  }
0x374: {  	[tilespmem:s29+$0xFB70] =	vst.add.f32.msk $0xffff, v24  }
0x375: {  	[tilespmem:s29+$0x12D70] =	vst.add.f32.msk $0xffff, v24  }
0x376: {  	[tilespmem:s29+$0xFB80] =	vst.add.f32.msk $0xffff, v25  }
0x377: {  	[tilespmem:s29+$0x12D80] =	vst.add.f32.msk $0xffff, v25  }
0x378: {  	[tilespmem:s29+$0xFB90] =	vst.add.f32.msk $0xffff, v26  }
0x379: {  	[tilespmem:s29+$0x12D90] =	vst.add.f32.msk $0xffff, v26  }
0x37a: {  	[tilespmem:s29+$0xFBA0] =	vst.add.f32.msk $0xffff, v27  }
0x37b: {  	[tilespmem:s29+$0x12DA0] =	vst.add.f32.msk $0xffff, v27  }
0x37c: {  	[tilespmem:s29+$0xFBB0] =	vst.add.f32.msk $0xffff, v28  }
0x37d: {  	[tilespmem:s29+$0x12DB0] =	vst.add.f32.msk $0xffff, v28  }
0x37e: {  	[tilespmem:s29+$0xFBC0] =	vst.add.f32.msk $0xffff, v29  }
.Ltmp3:
0x37f: {  	[tilespmem:s29+$0x12DC0] =	vst.add.f32.msk $0xffff, v29;
	(pc) =	sbr.rel @p0 .LBB2_9-.Ltmp3, $4  }
0x380: {  	[tilespmem:s29+$0xFBD0] =	vst.add.f32.msk $0xffff, v30  }
0x381: {  	[tilespmem:s29+$0x12DD0] =	vst.add.f32.msk $0xffff, v30  }
0x382: {  	[tilespmem:s29+$0xFBE0] =	vst.add.f32.msk $0xffff, v31  }
0x383: {  	s11 =	sadd.s32 $0x800, s11;
	[tilespmem:s29+$0x12DE0] =	vst.add.f32.msk $0xffff, v31  }
0x384: {  	s24 =	sadd.s32 $0x1, s24  }
0x385: {  	p0 =	sne.s32 s24, $0x1F  }
.Ltmp4:
0x386: {  	s0 =	sadd.s32 s4, s26;
	(pc) =	sbr.rel @p0 .LBB2_6-.Ltmp4, $4  }
0x387: {  	s0 =	sshll.u32 s0, $0x3  }
0x388: {  	s0 =	sand.u32 $0x1FFFFF80, s0  }
0x389: {  	[tilespmem:s29+$0xFBF0] =	vst.add.f32.msk $0xffff, v0;
	s0 =	sadd.s32 s2, s0  }
0x38a: {  	[hbm4b:s0+s3] =	stream.linear.scatter [tilespmem:s25], [sflag:$0x3], $0x6400, $0x38;
	[tilespmem:$0x15E00] =	vst v63  }
0x38b: {  	s21 =	sadd.s32 $0x1, s21  }
0x38c: {  	_ =	swait.ge [sflag:s17], $0x6400;
	p0 =	sne.s32 s21, s10  }
.Ltmp5:
0x38d: {  	[sflag:s17] =	ssyncset.done $0x0;
	(pc) =	sbr.rel @p0 .LBB2_1-.Ltmp5, $4  }
0x38e: {  	[sflag:s17] =	ssyncadd.s32 $0xFFFF9C00  }
0x38f: {  	_ =	swait.ge [sflag:s19], $0x6400  }
0x390: {  	[sflag:s19] =	ssyncset.done $0x0  }
0x391: {  	[sflag:s19] =	ssyncadd.s32 $0xFFFF9C00  }
0x392: {  	_ =	sfence.sel $0x180000  }
0x393: {  	[bflag:$0x0] =	sbarrier.arrive $0xFFFF  }
0x394: {  	_ =	strace $0x90000047  }
0x395: {  	s0 =	stileid.u32;
	[bflag:$0x2] =	sbarrier.arrive $0xFFFF  }
0x396: {  	p0 =	sne.s32 s0, $0x0;
	s0 =	rddreg [dreg:$0x2]  }
0x397: {  	s0 =	sadd.s32 @!p0 $0x100000, s0  }
0x398: {  	[sflag:s0] =	ssyncadd.tile.s32 @!p0 $0x1;
	_ =	shalt  }
.Lfunc_end2:
_tile_overlayer_lowered:
.L_overlay_start_2:
0x399: {  	(tag) =	ssettag $0x2  }
0x39a: {  	s0 =	rddreg [dreg:$0x0];
	s2 =	stileid.u32  }
0x39b: {  	s1 =	rddreg [dreg:$0x1];
	p0 =	sne.s32 s2, $0x0  }
0x39c: {  	s3 =	rddreg [dreg:$0x2];
	[bflag:$0x3] =	sbarrier.arrive $0xFFFF;
	s2 =	simm.s32 @!p0 $0x1C04  }
0x39d: {  	[timem:s3], [sflag:s2] =	dma.local @!p0 [hbm:s0], s1  }
0x39e: {  	s0 =	simm.s32 @!p0 $0x4  }
0x39f: {  	_ =	swait.ge @!p0 [sflag:s0], s1  }
0x3a0: {  	s1 =	ssub.s32 @!p0 $0x0, s1;
	[sflag:s0] =	ssyncset.done @!p0 $0x0  }
0x3a1: {  	[sflag:s0] =	ssyncadd.s32 @!p0 s1  }
0x3a2: {  	[bflag:$0x3] =	sbarrier.arrive $0xFFFF  }
0x3a3: {  	_ =	shalt  }

// kernel: sparse-core-data-format-call.cloned.1.call-start
scs
called_computation_lowered:
.L_overlay_start_0:
0x0: {  	s2 =	sld [smem:$0x3FD9]  }
0x1: {  	s3 =	sld [smem:$0x3FFE];
	_ =	sdelay $0x1  }
0x2: {  	s1 =	srdreg.scid  }
0x3: {  	s0 =	sand.u32 $0x1, s1  }
0x4: {  	s18 =	sshll.u32 s0, $0xA;
	s2 =	sadd.s32 s3, s2  }
0x5: {  	s2 =	sadd.s32 s2, s18  }
0x6: {  	[smem:$0x3FC5] =	sst s2  }
0x7: {  	_ = 	snop  }
0x8: {  	s2 =	sld [smem:$0x3FD0];
	(tm) =	ssettm $0x1  }
0x9: {  	s19 =	sld [smem:$0x3FFB];
	_ =	sdelay $0x3  }
0xa: {  	_ =	strace s19  }
0xb: {  	s3 =	sld [smem:$0x3FFC];
	_ =	sdelay $0x3  }
0xc: {  	_ =	strace s3  }
0xd: {  	s3 =	sld [smem:$0x3FFD];
	_ =	sdelay $0x3  }
0xe: {  	_ =	strace s3  }
0xf: {  	_ =	strace $0x8FFFFFFF  }
0x10: {  	s20 =	sld [smem:$0x3FDB];
	_ =	sdelay $0x1  }
0x11: {  	s4 =	simm.s32 $_scs_section_size  }
0x12: {  	s5 =	simm.s32 $_size__tile_overlayer_lowered;
	s6 =	simm.s32 $_tile_overlayer_lowered  }
0x13: {  	s23 =	simm.s32 $0x1BFF;
	s22 =	sshll.u32 s6, $0x1;
	s3 =	sadd.s32 s4, s20  }
0x14: {  	s7 =	simm.s32 $0x0;
	s21 =	sshll.u32 s5, $0x1;
	s5 =	sadd.s32 s22, s3  }
0x15: {  	[timem:s7], [sflag:s23] =	dma.local [hbm:s5], s21  }
0x16: {  	_ =	swait.ge [sflag:s23], s21  }
0x17: {  	s4 =	ssub.s32 $0x0, s21;
	[sflag:s23] =	ssyncset.done $0x0  }
0x18: {  	[sflag:s23] =	ssyncadd.s32 s4;
	_ =	sdelay $0x1  }
0x19: {  	s24 =	simm.s32 $0x1B8B  }
0x1a: {  	_ =	swait.ge [sflag:s24], $0x1  }
0x1b: {  	[sflag:s24] =	ssyncset.done $0x0  }
0x1c: {  	s26 =	simm.s32 $0x1B8E;
	s25 =	sld [smem:$0x3FFE];
	[sflag:s24] =	ssyncadd.s32 $0xFFFFFFFF  }
0x1d: {  	s27 =	simm.s32 $execute0_lowered;
	[smem:$0x3FD2] =	sst s26  }
0x1e: {  	s5 =	sshll.u32 s27, $0x1;
	_ =	strace $0x80000049;
	[dreg:$0x1] =	wrdreg $0xFFFFFFFF  }
0x1f: {  	s28 =	simm.s32 $_size_execute0_lowered;
	s3 =	sadd.s32 s3, s5;
	[dreg:$0x0] =	wrdreg $0x0  }
0x20: {  	s5 =	sshll.u32 s28, $0x1;
	[dreg:$0x2] =	wrdreg s3  }
0x21: {  	[dreg:$0x3] =	wrdreg s5  }
0x22: {  	[dreg:$0x4] =	wrdreg $0xC0  }
0x23: {  	_ =	task [dreg:s7], $0x5FFFF  }
0x24: {  	[dreg:$0x1] =	wrdreg $0xFFFFFFFF  }
0x25: {  	[dreg:$0x0] =	wrdreg $0x60  }
0x26: {  	[dreg:$0x2] =	wrdreg s25  }
0x27: {  	[dreg:$0x3] =	wrdreg s2  }
0x28: {  	[dreg:$0x4] =	wrdreg $0x9  }
0x29: {  	_ =	task.clear_ibuf [dreg:s7], $0x5FFFF;
	_ =	strace $0x90000049  }
0x2a: {  	s29 =	simm.s32 $0x9;
	_ =	strace $0x8000004B  }
0x2b: {  	_ =	swait.ge [sflag:s29], $0x1  }
0x2c: {  	[sflag:s29] =	ssyncadd.s32 $0xFFFFFFFF  }
0x2d: {  	_ =	strace $0x9000004B  }
0x2e: {  	_ =	sfence  }
0x2f: {  	s30 =	sld [smem:$0x0];
	_ =	sdelay $0x2  }
0x30: {  	s31 =	sshll.u32 s1, $0xD;
	s1 =	sshrl.u32 s1, $0x2  }
0x31: {  	s3 =	sand.u32 $0x4000, s31;
	s1 =	sadd.s32 s1, s30  }
0x32: {  	s0 =	sor.u32 s3, s0;
	s1 =	sshll.u32 s1, $0x11  }
0x33: {  	s0 =	sor.u32 s1, s0  }
0x34: {  	s0 =	sadd.s32 $0x8F2B, s0  }
0x35: {  	[sflag:s0] =	ssyncadd.remote.s32 $0x1  }
0x36: {  	_ =	sfence.sel $0xFFFF  }
0x37: {  	[dreg:$0x0] =	wrdreg $0xFFFFFFFF;
	(pc) =	sbr.abs _section_cstart, $3  }
0x38: {  	[dreg:$0x1] =	wrdreg $0xFFFFFFFF  }
0x39: {  	_ =	task.clear_ibuf [dreg:s7], $0x2FFFF;
	_ =	strace $0x9FFFFFFF  }
0x3a: {  	(tm) =	ssettm $0x7FFFFFFF  }
0x3b: {  	_ =	shalt  }
tec
execute0_lowered:
.L_overlay_start_1:
0x0: {  	(tag) =	ssettag $0x1  }
0x1: {  	s0 =	srdreg.scid  }
0x2: {  	s1 =	sshll.u32 s0, $0x4  }
0x3: {  	s0 =	stileid.u32;
	s1 =	sand.u32 $0x10, s1  }
0x4: {  	s1 =	sor.u32 s0, s1  }
0x5: {  	s6 =	rddreg [dreg:$0x0];
	s4 =	simm.s32 $0x1;
	s2 =	sshll.u32 s1, $0x7  }
0x6: {  	s7 =	simm.s32 $0x2;
	s12 =	simm.s32 $0x0;
	s1 =	ssub.s32 $0x1000, s2  }
0x7: {  	s8 =	simm.s32 $0x8000;
	s13 =	simm.s32 $0x0;
	s3 =	sand.u32 $0xF80, s1  }
0x8: {  	s9 =	simm.s32 $0x0;
	s5 =	sshrl.u32 s1, $0xC;
	p0 =	sne.s32 s3, $0x0  }
.Ltmp0:
0x9: {  	s1 =	rddreg [dreg:$0x2];
	s4 =	simm.s32 @!p0 $0x0;
	(pc) =	sbr.rel .LBB1_1-.Ltmp0, $4  }
0xa: {  	s11 =	simm.s32 $0x0;
	s3 =	rddreg [dreg:$0x1];
	s5 =	sadd.s32 s4, s5  }
0xb: {  	_ =	strace $0x8000004A;
	s4 =	simm.s32 $0x1;
	s5 =	smul.u32 $0xC8, s5  }
0xc: {  	s6 =	sadd.s32 $0xC00, s6;
	s10 =	smov.u32 s2;
	[sflag:s4] =	ssyncpa.u1 $0x0  }
0xd: {  	p0 =	por $0x0, $0x0;
	[sflag:s7] =	ssyncpa.u1 $0x0;
	s7 =	sor.u32 $0x1, s5  }
.LBB1_4:
0xe: {  	s16 =	sshll.u32 s13, $0x3;
	s17 =	sand.u32 $0x78, s13  }
0xf: {  	s30 =	sand.u32 $0x7E00, s13;
	s12 =	sshll.u32 s12, $0xF;
	s16 =	sand.u32 $0xC00, s16  }
0x10: {  	[tilespmem:s15+$0x810 ss:$0x81] =	vst.msk $0xffff, v2;
	s31 =	sand.u32 $0x7, s13;
	s16 =	sor.u32 s17, s16;
	s17 =	sadd.s32 s3, s30  }
0x11: {  	[tilespmem:s15+$0x1020 ss:$0x81] =	vst.msk $0xffff, v0;
	s13 =	sshll.u32 s31, $0x12;
	s12 =	sadd.s32 s12, s17;
	s16 =	sshrl.u32 s16, $0x3  }
0x12: {  	[tilespmem:s15+$0x0 ss:$0x81] =	vst.msk $0xffff, v1;
	s13 =	sor.u32 $0x400, s13;
	s12 =	sadd.s32 s16, s12  }
0x13: {  	[hbm4b:s12+s13] =	stream.strided.scatter [tilespmem:s14], [sflag:$0x2], $0x2000, s8, s13, $0x20;
	[tilespmem:$0x8080] =	vst v63  }
.LBB1_5:
0x14: {  	s14 =	sadd.s32 $0x1, s9  }
0x15: {  	s12 =	sadd.s32 $0x1000, s10;
	s16 =	smov.u32 s10;
	p2 =	sgt.s32 s14, $0xC7  }
0x16: {  	s16 =	smov.u32 @p2 s12  }
0x17: {  	s14 =	simm.s32 @p2 $0x0;
	p2 =	sgt.s32 s16, $0xFFF  }
0x18: {  	s16 =	smov.u32 @p2 s2;
	p2 =	sne.s32 s11, s7  }
.Ltmp1:
0x19: {  	p1 =	slt.u32 s11, $0x2;
	(pc) =	sbr.rel @!p2 .LBB1_6-.Ltmp1, $4  }
0x1a: {  	s15 =	simm.s32 @!p1 $0x2  }
0x1b: {  	s13 =	smov.u32 s10;
	p0 =	por !p0, !p0;
	_ =	swait.ge @!p1 [sflag:s15], $0x2000  }
0x1c: {  	s12 =	smov.u32 s9;
	[sflag:s15] =	ssyncset.done @!p1 $0x0;
	s9 =	smov.u32 s14  }
0x1d: {  	s11 =	sadd.s32 $0x1, s11;
	[sflag:s15] =	ssyncadd.s32 @!p1 $0xFFFFE000;
	s10 =	smov.u32 s16  }
.LBB1_1:
0x1e: {  	p1 =	sge.u32 s11, s5  }
0x1f: {  	s14 =	sand.u32 @!p1 $0x1FFFFFF, s9  }
0x20: {  	s15 =	smulhi.u32 @!p1 $0x147AE15, s14;
	_ =	sdelay $0x1  }
0x21: {  	s15 =	smul.u32 @!p1 $0xC8, s15  }
0x22: {  	s16 =	sxor.u32 @!p1 $0xFFFFFFFF, s11;
	s17 =	smul.u32 @!p1 $0xC80, s10  }
0x23: {  	s31 =	sadd.s32 $0xFFFFFFFF, s11;
	s16 =	sshll.u32 @!p1 s16, $0xD;
	s14 =	ssub.s32 @!p1 s14, s15  }
0x24: {  	s15 =	sand.u32 @!p1 $0x2000, s16;
	s16 =	sadd.s32 @!p1 s6, s17;
	s14 =	sshll.u32 @!p1 s14, $0x4  }
0x25: {  	s17 =	simm.s32 @!p1 $0x6400;
	s14 =	sadd.s32 @!p1 s14, s16;
	s16 =	simm.s32 @!p1 $0x40  }
0x26: {  	[tilespmem:s15], [sflag:$0x1] =	stream.strided.gather @!p1 [hbm4b:s14+s16], $0x2000, s17, s16, $0x38;
	[tilespmem:$0x8080] =	vst v63  }
0x27: {  	p1 =	sge.u32 s31, s5  }
.Ltmp2:
0x28: {  	_ = 	snop;
	(pc) =	sbr.rel @p1 .LBB1_5-.Ltmp2, $1  }
0x29: {  	_ =	sdelay $0x3  }
0x2a: {  	s14 =	simm.s32 $0x1  }
0x2b: {  	_ =	swait.ge [sflag:s4], $0x2000;
	s14 =	simm.s32 @!p0 $0x0  }
0x2c: {  	[sflag:s4] =	ssyncset.done $0x0;
	s15 =	sshll.u32 s14, $0xD  }
0x2d: {  	[sflag:s4] =	ssyncadd.s32 $0xFFFFE000;
	s18 =	sor.u32 $0x20, s15  }
0x2e: {  	s14 =	smul.u32 $0x8100, s14;
	v3 =	vld [tilespmem:s18+$0x10]  }
0x2f: {  	s30 =	sand.u32 $0x1, s11;
	v2 =	vld [tilespmem:s18+$0xFFFFFFF0]  }
0x30: {  	s15 =	smul.u32 $0x8100, s30;
	s14 =	sshrl.u32 s14, $0x2;
	v0 =	vld [tilespmem:s18+$0x0]  }
0x31: {  	v1 =	vld [tilespmem:s18+$0xFFFFFFE0];
	s16 =	sor.u32 $0x4000, s14  }
0x32: {  	s31 =	sshrl.u32 s15, $0x2;
	s15 =	sadd.s32 $0x0, s16  }
0x33: {  	s17 =	simm.s32 $0x4;
	s18 =	sadd.s32 $0x40, s18;
	s14 =	sor.u32 $0x4000, s31;
	[tilespmem:s15+$0x1830 ss:$0x81] =	vst.msk $0xffff, v3  }
.LBB1_3:
0x34: {  	v3 =	vld [tilespmem:s18+$0x10];
	p1 =	sne.s32 s17, $0x1FC;
	[tilespmem:s15+$0x810 ss:$0x81] =	vst.msk $0xffff, v2;
	s19 =	smov.u32 s17;
	s17 =	sadd.s32 $0x4, s17  }
.Ltmp3:
0x35: {  	v2 =	vld [tilespmem:s18+$0xFFFFFFF0];
	[tilespmem:s15+$0x1020 ss:$0x81] =	vst.msk $0xffff, v0;
	(pc) =	sbr.rel @p1 .LBB1_3-.Ltmp3, $4  }
0x36: {  	v0 =	vld [tilespmem:s18+$0x0];
	[tilespmem:s15+$0x0 ss:$0x81] =	vst.msk $0xffff, v1  }
0x37: {  	s15 =	sshra.s32 s19, $0x2;
	v1 =	vld [tilespmem:s18+$0xFFFFFFE0]  }
0x38: {  	s15 =	sadd.s32 s15, s16  }
0x39: {  	s18 =	sadd.s32 $0x40, s18;
	[tilespmem:s15+$0x1830 ss:$0x81] =	vst.msk $0xffff, v3  }
.Ltmp4:
0x3a: {  	_ = 	snop;
	(pc) =	sbr.rel .LBB1_4-.Ltmp4, $1  }
0x3b: {  	_ =	sdelay $0x3  }
.LBB1_6:
0x3c: {  	_ =	sfence.sel $0x180000  }
0x3d: {  	s2 =	simm.s32 $0x1;
	[bflag:$0x0] =	sbarrier.arrive $0xFFFF  }
0x3e: {  	s31 =	simm.s32 $0x2;
	[sflag:s2] =	ssyncpa.u1 $0x1  }
0x3f: {  	[sflag:s31] =	ssyncpa.u1 $0x1  }
0x40: {  	p0 =	sne.s32 s0, $0x0;
	_ =	strace $0x9000004A  }
0x41: {  	s0 =	sadd.s32 @!p0 $0x100000, s1;
	[bflag:$0x2] =	sbarrier.arrive $0xFFFF  }
0x42: {  	[sflag:s0] =	ssyncadd.tile.s32 @!p0 $0x1;
	_ =	shalt  }
.Lfunc_end1:
_tile_overlayer_lowered:
.L_overlay_start_2:
0x43: {  	(tag) =	ssettag $0x2  }
0x44: {  	s0 =	rddreg [dreg:$0x0];
	s2 =	stileid.u32  }
0x45: {  	s1 =	rddreg [dreg:$0x1];
	p0 =	sne.s32 s2, $0x0  }
0x46: {  	s3 =	rddreg [dreg:$0x2];
	[bflag:$0x3] =	sbarrier.arrive $0xFFFF;
	s2 =	simm.s32 @!p0 $0x1C01  }
0x47: {  	[timem:s3], [sflag:s2] =	dma.local @!p0 [hbm:s0], s1  }
0x48: {  	s0 =	simm.s32 @!p0 $0x1  }
0x49: {  	_ =	swait.ge @!p0 [sflag:s0], s1  }
0x4a: {  	s1 =	ssub.s32 @!p0 $0x0, s1;
	[sflag:s0] =	ssyncset.done @!p0 $0x0  }
0x4b: {  	[sflag:s0] =	ssyncadd.s32 @!p0 s1  }
0x4c: {  	[bflag:$0x3] =	sbarrier.arrive $0xFFFF  }
0x4d: {  	_ =	shalt  }

</sc_bundles>
